<compile_context>
chip_gen: v7x
topology: tpu7x:2x2x1
jax: 0.10.2.dev20260603
libtpu: 0.0.44.dev20260713+nightly
codegen_flags: <defaults>
</compile_context>

<pallas_src>
import functools

import jax
import jax.numpy as jnp
from jax.experimental import pallas as pl

_N = 8192
_F_IN = 128
_FILT = 32
_NCLS = 2
_K1 = 4096
_K2 = 2048

_BR = 256



def _prep_body(a_ref, ab_ref, d_ref):
    blk = a_ref[...]
    d_ref[...] = jnp.sum(blk, axis=1)
    ab_ref[...] = blk.astype(jnp.bfloat16)


def _prep(a):
    n = a.shape[0]
    return pl.pallas_call(
        _prep_body,
        grid=(n // _BR,),
        in_specs=[pl.BlockSpec((_BR, n), lambda i: (i, 0))],
        out_specs=[pl.BlockSpec((_BR, n), lambda i: (i, 0)),
                   pl.BlockSpec((_BR,), lambda i: (i,))],
        out_shape=[jax.ShapeDtypeStruct((n, n), jnp.bfloat16),
                   jax.ShapeDtypeStruct((n,), jnp.float32)],
    )(a)



def _gcn_body(amat_ref, zmat_ref, zdiag_ref, dinv_ref, o_ref, *, act):
    acc = jnp.dot(amat_ref[...], zmat_ref[...],
                  preferred_element_type=jnp.float32)
    res = (acc + zdiag_ref[...]) * dinv_ref[...][:, None]
    if act == "relu":
        o_ref[...] = jnp.maximum(res, 0.0)
    else:
        m = jnp.max(res, axis=-1, keepdims=True)
        e = jnp.exp(res - m)
        o_ref[...] = e / jnp.sum(e, axis=-1, keepdims=True)


def _gcn_layer(amat, zmat, zdiag, dinv, act):
    m, c = amat.shape
    f = zmat.shape[1]
    body = functools.partial(_gcn_body, act=act)
    return pl.pallas_call(
        body,
        grid=(m // _BR,),
        in_specs=[
            pl.BlockSpec((_BR, c), lambda i: (i, 0)),
            pl.BlockSpec((c, f), lambda i: (0, 0)),
            pl.BlockSpec((_BR, f), lambda i: (i, 0)),
            pl.BlockSpec((_BR,), lambda i: (i,)),
        ],
        out_specs=pl.BlockSpec((_BR, f), lambda i: (i, 0)),
        out_shape=jax.ShapeDtypeStruct((m, f), jnp.float32),
    )(amat, zmat, zdiag, dinv)



def _colsel_body(amat_ref, m_ref, o_ref):
    o_ref[...] = jnp.dot(amat_ref[...], m_ref[...],
                         preferred_element_type=jnp.float32)


def _colsel_sums(ab, mask8):
    n = ab.shape[0]
    return pl.pallas_call(
        _colsel_body,
        grid=(n // _BR,),
        in_specs=[pl.BlockSpec((_BR, n), lambda i: (i, 0)),
                  pl.BlockSpec((n, 8), lambda i: (0, 0))],
        out_specs=pl.BlockSpec((_BR, 8), lambda i: (i, 0)),
        out_shape=jax.ShapeDtypeStruct((n, 8), jnp.float32),
    )(ab, mask8)



def _proj_body(x_ref, w_ref, dinv_ref, o_ref):
    o_ref[...] = (jnp.dot(x_ref[...], w_ref[...],
                          preferred_element_type=jnp.float32)
                  * dinv_ref[...][:, None])


def _scaled_proj(x, w, dinv):
    m, k = x.shape
    f = w.shape[1]
    return pl.pallas_call(
        _proj_body,
        in_specs=[pl.BlockSpec((m, k), lambda: (0, 0)),
                  pl.BlockSpec((k, f), lambda: (0, 0)),
                  pl.BlockSpec((m,), lambda: (0,))],
        out_specs=pl.BlockSpec((m, f), lambda: (0, 0)),
        out_shape=jax.ShapeDtypeStruct((m, f), jnp.float32),
    )(x, w, dinv)



def _topk_sorted(scores, k):
    _, idx = jax.lax.top_k(scores, k)
    return jnp.sort(idx).astype(jnp.int32)


def kernel(x, a, W1, W2, W3, W4, s1, s2):
    eps = 1e-10

    ab, d0 = _prep(a)
    dinv = jax.lax.rsqrt(d0 + 1.0 + eps)
    z1 = _scaled_proj(x, W1, dinv)
    x1 = _gcn_layer(ab, z1.astype(jnp.bfloat16), z1, dinv, "relu")

    scores1 = jnp.squeeze(x1 @ s1, axis=1)
    idx1 = _topk_sorted(scores1, _K1)
    mask8 = jnp.zeros((_N, 8), jnp.bfloat16).at[idx1, 0].set(1.0)
    am = _colsel_sums(ab, mask8)[:, 0]
    d1 = am[idx1] + 1.0
    dinv1 = jax.lax.rsqrt(d1 + eps)
    dinv1s = jnp.zeros((_N,), jnp.float32).at[idx1].set(dinv1)

    x1p = jnp.take(x1, idx1, axis=0)
    z2 = _scaled_proj(x1p, W2, dinv1)
    z2s = jnp.zeros((_N, _FILT), jnp.float32).at[idx1].set(z2)
    x2s = _gcn_layer(ab, z2s.astype(jnp.bfloat16), z2s, dinv1s, "relu")
    x2 = jnp.take(x2s, idx1, axis=0)

    scores2 = jnp.squeeze(x2 @ s2, axis=1)
    idx2 = _topk_sorted(scores2, _K2)

    x2p = jnp.take(x2, idx2, axis=0)
    x3pre = jnp.zeros((_K1, _FILT), jnp.float32).at[idx2].set(x2p)
    z3 = _scaled_proj(x3pre, W3, dinv1)
    z3s = jnp.zeros((_N, _FILT), jnp.float32).at[idx1].set(z3)
    x4 = _gcn_layer(ab, z3s.astype(jnp.bfloat16), z3s, dinv1s, "relu")

    z4 = _scaled_proj(x4, W4, dinv)
    out = _gcn_layer(ab, z4.astype(jnp.bfloat16), z4, dinv, "softmax")
    return out

# --- scband reference (transcript-rebuilt; emitter-appended) ---
"""Pipeline reference for scband-gcn-unet-30270929502678 (READ-ONLY COPY).

The authoritative reference and input builder live on the scoring server;
editing this copy changes nothing except your own understanding.
"""

import jax, jax.numpy as jnp
import numpy as np

N = 8192
F_IN = 128
FILT = 32
NCLS = 2
K1 = 4096  # ceil(0.5 * 8192)
K2 = 2048  # ceil(0.5 * 4096)


def _glorot(k, shape):
    lim = float(np.sqrt(6.0 / (shape[0] + shape[1])))
    return jax.random.uniform(k, shape, jnp.float32, -lim, lim)


def setup_inputs(seed: int = 0) -> dict:
    key = jax.random.key(seed)
    ks = jax.random.split(key, 8)
    x = jax.random.normal(ks[0], (N, F_IN), dtype=jnp.float32)
    a = jax.random.uniform(ks[1], (N, N), dtype=jnp.float32)
    W1 = _glorot(ks[2], (F_IN, FILT))
    W2 = _glorot(ks[3], (FILT, FILT))
    W3 = _glorot(ks[4], (FILT, FILT))
    W4 = _glorot(ks[5], (FILT, NCLS))
    s1 = _glorot(ks[6], (FILT, 1))
    s2 = _glorot(ks[7], (FILT, 1))
    return {"x": x, "a": a, "W1": W1, "W2": W2, "W3": W3, "W4": W4, "s1": s1, "s2": s2}


def _gcn(X, A, W, act):
    n = A.shape[0]
    A_hat = A + jnp.eye(n, dtype=A.dtype)
    D = jnp.sum(A_hat, axis=1)
    d_inv_sqrt = 1.0 / jnp.sqrt(D + 1e-10)
    # diag(d) @ A_hat @ diag(d), expressed as broadcast (same math)
    A_norm = d_inv_sqrt[:, None] * A_hat * d_inv_sqrt[None, :]
    XW = X @ W
    out = A_norm @ XW
    return act(out)


def _topk_pool(X, A, score_vec, k):
    scores = jnp.squeeze(X @ score_vec, axis=1)
    _, idx = jax.lax.top_k(scores, k)
    X_pooled = jnp.take(X, idx, axis=0)
    A_pooled = jnp.take(jnp.take(A, idx, axis=0), idx, axis=1)
    return X_pooled, A_pooled, idx


def _unpool(X_pooled, idx, n):
    F = X_pooled.shape[-1]
    out = jnp.zeros((n, F), dtype=X_pooled.dtype)
    return out.at[idx].set(X_pooled)


def reference(x, a, W1, W2, W3, W4, s1, s2):
    relu = jax.nn.relu
    # encoder
    X1 = _gcn(x, a, W1, relu)
    # dropout is identity in inference mode (training=False)
    X1_p, A1_p, idx1 = _topk_pool(X1, a, s1, K1)
    X2 = _gcn(X1_p, A1_p, W2, relu)
    X2_p, A2_p, idx2 = _topk_pool(X2, A1_p, s2, K2)
    # decoder
    X3 = _unpool(X2_p, idx2, K1)
    X3 = _gcn(X3, A1_p, W3, relu)
    X4 = _unpool(X3, idx1, N)
    out = _gcn(X4, a, W4, lambda t: jax.nn.softmax(t, axis=-1))
    return out

if __name__ == "__main__":
    import jax
    _d = setup_inputs()
    print(jax.jit(kernel)(*tuple(_d.values())))

</pallas_src>

<mosaic_0001>
module attributes {stable_mosaic.version = 14 : i64} {
  func.func @_prep_body(%arg0: i32, %arg1: memref<256x8192xf32, #tpu.memory_space<vmem>>, %arg2: memref<256x8192xbf16, #tpu.memory_space<vmem>>, %arg3: memref<256xf32, #tpu.memory_space<vmem>>) attributes {dimension_semantics = [#tpu.dimension_semantics<arbitrary>], iteration_bounds = array<i64: 32>, scalar_prefetch = 0 : i64, scratch_operands = 0 : i64, tpu.core_type = #tpu.core_type<tc>, window_params = [{transform_indices = @transform_0, window_bounds = array<i64: 256, 8192>}, {transform_indices = @transform_1, window_bounds = array<i64: 256, 8192>}, {transform_indices = @transform_2, window_bounds = array<i64: 256>}]} {
    %get3A = arith.constant 0 : index
    %get3A_0 = arith.constant 0 : index
    %get3A_1 = vector.load %arg1[%get3A, %get3A_0] : memref<256x8192xf32, #tpu.memory_space<vmem>>, vector<256x8192xf32>
    %reduce_sum3A = arith.constant dense<0.000000e+00> : vector<256xf32>
    %reduce_sum3A_2 = vector.multi_reduction <add>, %get3A_1, %reduce_sum3A [1] : vector<256x8192xf32> to vector<256xf32>
    %swap3A = arith.constant 0 : index
    %swap3A_3 = vector.load %arg3[%swap3A] : memref<256xf32, #tpu.memory_space<vmem>>, vector<256xf32>
    tpu.vector_store %arg3[%swap3A], %reduce_sum3A_2 {strides = array<i32>} : memref<256xf32, #tpu.memory_space<vmem>>, vector<256xf32>,
    %convert_element_type3A = arith.truncf %get3A_1 : vector<256x8192xf32> to vector<256x8192xbf16>
    %swap3A_4 = arith.constant 0 : index
    %swap3A_5 = arith.constant 0 : index
    %swap3A_6 = vector.load %arg2[%swap3A_4, %swap3A_5] : memref<256x8192xbf16, #tpu.memory_space<vmem>>, vector<256x8192xbf16>
    tpu.vector_store %arg2[%swap3A_4, %swap3A_5], %convert_element_type3A {strides = array<i32>} : memref<256x8192xbf16, #tpu.memory_space<vmem>>, vector<256x8192xbf16>,
    return
  }
  func.func @transform_0(%arg0: i32) -> (i32, i32) {
    %c0_i32 = arith.constant 0 : i32
    %c0_i32_0 = arith.constant 0 : i32
    return %arg0, %c0_i32 : i32, i32
  }
  func.func @transform_1(%arg0: i32) -> (i32, i32) {
    %c0_i32 = arith.constant 0 : i32
    %c0_i32_0 = arith.constant 0 : i32
    return %arg0, %c0_i32 : i32, i32
  }
  func.func @transform_2(%arg0: i32) -> i32 {
    %c0_i32 = arith.constant 0 : i32
    return %arg0 : i32
  }
}

module attributes {stable_mosaic.version = 14 : i64} {
  func.func @_proj_body(%arg0: memref<8192x128xf32, #tpu.memory_space<vmem>>, %arg1: memref<128x32xf32, #tpu.memory_space<vmem>>, %arg2: memref<8192xf32, #tpu.memory_space<vmem>>, %arg3: memref<8192x32xf32, #tpu.memory_space<vmem>>) attributes {dimension_semantics = [], scalar_prefetch = 0 : i64, scratch_operands = 0 : i64, tpu.core_type = #tpu.core_type<tc>} {
    %get3A = arith.constant 0 : index
    %get3A_0 = arith.constant 0 : index
    %get3A_1 = vector.load %arg0[%get3A, %get3A_0] : memref<8192x128xf32, #tpu.memory_space<vmem>>, vector<8192x128xf32>
    %get3A_2 = arith.constant 0 : index
    %get3A_3 = arith.constant 0 : index
    %get3A_4 = vector.load %arg1[%get3A_2, %get3A_3] : memref<128x32xf32, #tpu.memory_space<vmem>>, vector<128x32xf32>
    %dot_general3A = arith.constant dense<0.000000e+00> : vector<8192x32xf32>
    %dot_general3A_5 = tpu.matmul %get3A_1, %get3A_4, %dot_general3A {dimension_numbers = #tpu.dot_dimension_numbers<[1], [0], [0], [1], [0, 0, 1, 1], [], []>, transpose_lhs_hint = false} : vector<8192x128xf32>, vector<128x32xf32>, vector<8192x32xf32> -> vector<8192x32xf32>
    %get3A_6 = arith.constant 0 : index
    %get3A_7 = vector.load %arg2[%get3A_6] : memref<8192xf32, #tpu.memory_space<vmem>>, vector<8192xf32>
    %broadcast_in_dim3A = vector.shape_cast %get3A_7 : vector<8192xf32> to vector<8192x1xf32>
    %mul3A = vector.broadcast %broadcast_in_dim3A : vector<8192x1xf32> to vector<8192x32xf32>
    %mul3A_8 = arith.mulf %dot_general3A_5, %mul3A : vector<8192x32xf32>
    %swap3A = arith.constant 0 : index
    %swap3A_9 = arith.constant 0 : index
    %swap3A_10 = vector.load %arg3[%swap3A, %swap3A_9] : memref<8192x32xf32, #tpu.memory_space<vmem>>, vector<8192x32xf32>
    tpu.vector_store %arg3[%swap3A, %swap3A_9], %mul3A_8 {strides = array<i32>} : memref<8192x32xf32, #tpu.memory_space<vmem>>, vector<8192x32xf32>,
    return
  }
}

module attributes {stable_mosaic.version = 14 : i64} {
  func.func @_gcn_body(%arg0: i32, %arg1: memref<256x8192xbf16, #tpu.memory_space<vmem>>, %arg2: memref<8192x32xbf16, #tpu.memory_space<vmem>>, %arg3: memref<256x32xf32, #tpu.memory_space<vmem>>, %arg4: memref<256xf32, #tpu.memory_space<vmem>>, %arg5: memref<256x32xf32, #tpu.memory_space<vmem>>) attributes {dimension_semantics = [#tpu.dimension_semantics<arbitrary>], iteration_bounds = array<i64: 32>, scalar_prefetch = 0 : i64, scratch_operands = 0 : i64, tpu.core_type = #tpu.core_type<tc>, window_params = [{transform_indices = @transform_0, window_bounds = array<i64: 256, 8192>}, {pipeline_mode = #tpu.pipeline_mode<synchronous>, transform_indices = @transform_1, window_bounds = array<i64: 8192, 32>}, {transform_indices = @transform_2, window_bounds = array<i64: 256, 32>}, {transform_indices = @transform_3, window_bounds = array<i64: 256>}, {transform_indices = @transform_4, window_bounds = array<i64: 256, 32>}]} {
    %get3A = arith.constant 0 : index
    %get3A_0 = arith.constant 0 : index
    %get3A_1 = vector.load %arg1[%get3A, %get3A_0] : memref<256x8192xbf16, #tpu.memory_space<vmem>>, vector<256x8192xbf16>
    %get3A_2 = arith.constant 0 : index
    %get3A_3 = arith.constant 0 : index
    %get3A_4 = vector.load %arg2[%get3A_2, %get3A_3] : memref<8192x32xbf16, #tpu.memory_space<vmem>>, vector<8192x32xbf16>
    %dot_general3A = arith.constant dense<0.000000e+00> : vector<256x32xf32>
    %dot_general3A_5 = tpu.matmul %get3A_1, %get3A_4, %dot_general3A {dimension_numbers = #tpu.dot_dimension_numbers<[1], [0], [0], [1], [0, 0, 1, 1], [], []>, transpose_lhs_hint = false} : vector<256x8192xbf16>, vector<8192x32xbf16>, vector<256x32xf32> -> vector<256x32xf32>
    %get3A_6 = arith.constant 0 : index
    %get3A_7 = arith.constant 0 : index
    %get3A_8 = vector.load %arg3[%get3A_6, %get3A_7] : memref<256x32xf32, #tpu.memory_space<vmem>>, vector<256x32xf32>
    %add3A = arith.addf %dot_general3A_5, %get3A_8 : vector<256x32xf32>
    %get3A_9 = arith.constant 0 : index
    %get3A_10 = vector.load %arg4[%get3A_9] : memref<256xf32, #tpu.memory_space<vmem>>, vector<256xf32>
    %broadcast_in_dim3A = vector.shape_cast %get3A_10 : vector<256xf32> to vector<256x1xf32>
    %mul3A = vector.broadcast %broadcast_in_dim3A : vector<256x1xf32> to vector<256x32xf32>
    %mul3A_11 = arith.mulf %add3A, %mul3A : vector<256x32xf32>
    %max3A = arith.constant 0.000000e+00 : f32
    %max3A_12 = vector.broadcast %max3A : f32 to vector<256x32xf32>
    %max3A_13 = arith.maximumf %mul3A_11, %max3A_12 : vector<256x32xf32>
    %swap3A = arith.constant 0 : index
    %swap3A_14 = arith.constant 0 : index
    %swap3A_15 = vector.load %arg5[%swap3A, %swap3A_14] : memref<256x32xf32, #tpu.memory_space<vmem>>, vector<256x32xf32>
    tpu.vector_store %arg5[%swap3A, %swap3A_14], %max3A_13 {strides = array<i32>} : memref<256x32xf32, #tpu.memory_space<vmem>>, vector<256x32xf32>,
    return
  }
  func.func @transform_0(%arg0: i32) -> (i32, i32) {
    %c0_i32 = arith.constant 0 : i32
    %c0_i32_0 = arith.constant 0 : i32
    return %arg0, %c0_i32 : i32, i32
  }
  func.func @transform_1(%arg0: i32) -> (i32, i32) {
    %c0_i32 = arith.constant 0 : i32
    %c0_i32_0 = arith.constant 0 : i32
    %c0_i32_1 = arith.constant 0 : i32
    return %c0_i32, %c0_i32_0 : i32, i32
  }
  func.func @transform_2(%arg0: i32) -> (i32, i32) {
    %c0_i32 = arith.constant 0 : i32
    %c0_i32_0 = arith.constant 0 : i32
    return %arg0, %c0_i32 : i32, i32
  }
  func.func @transform_3(%arg0: i32) -> i32 {
    %c0_i32 = arith.constant 0 : i32
    return %arg0 : i32
  }
  func.func @transform_4(%arg0: i32) -> (i32, i32) {
    %c0_i32 = arith.constant 0 : i32
    %c0_i32_0 = arith.constant 0 : i32
    return %arg0, %c0_i32 : i32, i32
  }
}

module attributes {stable_mosaic.version = 14 : i64} {
  func.func @_colsel_body(%arg0: i32, %arg1: memref<256x8192xbf16, #tpu.memory_space<vmem>>, %arg2: memref<8192x8xbf16, #tpu.memory_space<vmem>>, %arg3: memref<256x8xf32, #tpu.memory_space<vmem>>) attributes {dimension_semantics = [#tpu.dimension_semantics<arbitrary>], iteration_bounds = array<i64: 32>, scalar_prefetch = 0 : i64, scratch_operands = 0 : i64, tpu.core_type = #tpu.core_type<tc>, window_params = [{transform_indices = @transform_0, window_bounds = array<i64: 256, 8192>}, {pipeline_mode = #tpu.pipeline_mode<synchronous>, transform_indices = @transform_1, window_bounds = array<i64: 8192, 8>}, {transform_indices = @transform_2, window_bounds = array<i64: 256, 8>}]} {
    %get3A = arith.constant 0 : index
    %get3A_0 = arith.constant 0 : index
    %get3A_1 = vector.load %arg1[%get3A, %get3A_0] : memref<256x8192xbf16, #tpu.memory_space<vmem>>, vector<256x8192xbf16>
    %get3A_2 = arith.constant 0 : index
    %get3A_3 = arith.constant 0 : index
    %get3A_4 = vector.load %arg2[%get3A_2, %get3A_3] : memref<8192x8xbf16, #tpu.memory_space<vmem>>, vector<8192x8xbf16>
    %dot_general3A = arith.constant dense<0.000000e+00> : vector<256x8xf32>
    %dot_general3A_5 = tpu.matmul %get3A_1, %get3A_4, %dot_general3A {dimension_numbers = #tpu.dot_dimension_numbers<[1], [0], [0], [1], [0, 0, 1, 1], [], []>, transpose_lhs_hint = false} : vector<256x8192xbf16>, vector<8192x8xbf16>, vector<256x8xf32> -> vector<256x8xf32>
    %swap3A = arith.constant 0 : index
    %swap3A_6 = arith.constant 0 : index
    %swap3A_7 = vector.load %arg3[%swap3A, %swap3A_6] : memref<256x8xf32, #tpu.memory_space<vmem>>, vector<256x8xf32>
    tpu.vector_store %arg3[%swap3A, %swap3A_6], %dot_general3A_5 {strides = array<i32>} : memref<256x8xf32, #tpu.memory_space<vmem>>, vector<256x8xf32>,
    return
  }
  func.func @transform_0(%arg0: i32) -> (i32, i32) {
    %c0_i32 = arith.constant 0 : i32
    %c0_i32_0 = arith.constant 0 : i32
    return %arg0, %c0_i32 : i32, i32
  }
  func.func @transform_1(%arg0: i32) -> (i32, i32) {
    %c0_i32 = arith.constant 0 : i32
    %c0_i32_0 = arith.constant 0 : i32
    %c0_i32_1 = arith.constant 0 : i32
    return %c0_i32, %c0_i32_0 : i32, i32
  }
  func.func @transform_2(%arg0: i32) -> (i32, i32) {
    %c0_i32 = arith.constant 0 : i32
    %c0_i32_0 = arith.constant 0 : i32
    return %arg0, %c0_i32 : i32, i32
  }
}

module attributes {stable_mosaic.version = 14 : i64} {
  func.func @_proj_body(%arg0: memref<4096x32xf32, #tpu.memory_space<vmem>>, %arg1: memref<32x32xf32, #tpu.memory_space<vmem>>, %arg2: memref<4096xf32, #tpu.memory_space<vmem>>, %arg3: memref<4096x32xf32, #tpu.memory_space<vmem>>) attributes {dimension_semantics = [], scalar_prefetch = 0 : i64, scratch_operands = 0 : i64, tpu.core_type = #tpu.core_type<tc>} {
    %get3A = arith.constant 0 : index
    %get3A_0 = arith.constant 0 : index
    %get3A_1 = vector.load %arg0[%get3A, %get3A_0] : memref<4096x32xf32, #tpu.memory_space<vmem>>, vector<4096x32xf32>
    %get3A_2 = arith.constant 0 : index
    %get3A_3 = arith.constant 0 : index
    %get3A_4 = vector.load %arg1[%get3A_2, %get3A_3] : memref<32x32xf32, #tpu.memory_space<vmem>>, vector<32x32xf32>
    %dot_general3A = arith.constant dense<0.000000e+00> : vector<4096x32xf32>
    %dot_general3A_5 = tpu.matmul %get3A_1, %get3A_4, %dot_general3A {dimension_numbers = #tpu.dot_dimension_numbers<[1], [0], [0], [1], [0, 0, 1, 1], [], []>, transpose_lhs_hint = false} : vector<4096x32xf32>, vector<32x32xf32>, vector<4096x32xf32> -> vector<4096x32xf32>
    %get3A_6 = arith.constant 0 : index
    %get3A_7 = vector.load %arg2[%get3A_6] : memref<4096xf32, #tpu.memory_space<vmem>>, vector<4096xf32>
    %broadcast_in_dim3A = vector.shape_cast %get3A_7 : vector<4096xf32> to vector<4096x1xf32>
    %mul3A = vector.broadcast %broadcast_in_dim3A : vector<4096x1xf32> to vector<4096x32xf32>
    %mul3A_8 = arith.mulf %dot_general3A_5, %mul3A : vector<4096x32xf32>
    %swap3A = arith.constant 0 : index
    %swap3A_9 = arith.constant 0 : index
    %swap3A_10 = vector.load %arg3[%swap3A, %swap3A_9] : memref<4096x32xf32, #tpu.memory_space<vmem>>, vector<4096x32xf32>
    tpu.vector_store %arg3[%swap3A, %swap3A_9], %mul3A_8 {strides = array<i32>} : memref<4096x32xf32, #tpu.memory_space<vmem>>, vector<4096x32xf32>,
    return
  }
}

module attributes {stable_mosaic.version = 14 : i64} {
  func.func @_proj_body(%arg0: memref<8192x32xf32, #tpu.memory_space<vmem>>, %arg1: memref<32x2xf32, #tpu.memory_space<vmem>>, %arg2: memref<8192xf32, #tpu.memory_space<vmem>>, %arg3: memref<8192x2xf32, #tpu.memory_space<vmem>>) attributes {dimension_semantics = [], scalar_prefetch = 0 : i64, scratch_operands = 0 : i64, tpu.core_type = #tpu.core_type<tc>} {
    %get3A = arith.constant 0 : index
    %get3A_0 = arith.constant 0 : index
    %get3A_1 = vector.load %arg0[%get3A, %get3A_0] : memref<8192x32xf32, #tpu.memory_space<vmem>>, vector<8192x32xf32>
    %get3A_2 = arith.constant 0 : index
    %get3A_3 = arith.constant 0 : index
    %get3A_4 = vector.load %arg1[%get3A_2, %get3A_3] : memref<32x2xf32, #tpu.memory_space<vmem>>, vector<32x2xf32>
    %dot_general3A = arith.constant dense<0.000000e+00> : vector<8192x2xf32>
    %dot_general3A_5 = tpu.matmul %get3A_1, %get3A_4, %dot_general3A {dimension_numbers = #tpu.dot_dimension_numbers<[1], [0], [0], [1], [0, 0, 1, 1], [], []>, transpose_lhs_hint = false} : vector<8192x32xf32>, vector<32x2xf32>, vector<8192x2xf32> -> vector<8192x2xf32>
    %get3A_6 = arith.constant 0 : index
    %get3A_7 = vector.load %arg2[%get3A_6] : memref<8192xf32, #tpu.memory_space<vmem>>, vector<8192xf32>
    %broadcast_in_dim3A = vector.shape_cast %get3A_7 : vector<8192xf32> to vector<8192x1xf32>
    %mul3A = vector.broadcast %broadcast_in_dim3A : vector<8192x1xf32> to vector<8192x2xf32>
    %mul3A_8 = arith.mulf %dot_general3A_5, %mul3A : vector<8192x2xf32>
    %swap3A = arith.constant 0 : index
    %swap3A_9 = arith.constant 0 : index
    %swap3A_10 = vector.load %arg3[%swap3A, %swap3A_9] : memref<8192x2xf32, #tpu.memory_space<vmem>>, vector<8192x2xf32>
    tpu.vector_store %arg3[%swap3A, %swap3A_9], %mul3A_8 {strides = array<i32>} : memref<8192x2xf32, #tpu.memory_space<vmem>>, vector<8192x2xf32>,
    return
  }
}

module attributes {stable_mosaic.version = 14 : i64} {
  func.func @_gcn_body(%arg0: i32, %arg1: memref<256x8192xbf16, #tpu.memory_space<vmem>>, %arg2: memref<8192x2xbf16, #tpu.memory_space<vmem>>, %arg3: memref<256x2xf32, #tpu.memory_space<vmem>>, %arg4: memref<256xf32, #tpu.memory_space<vmem>>, %arg5: memref<256x2xf32, #tpu.memory_space<vmem>>) attributes {dimension_semantics = [#tpu.dimension_semantics<arbitrary>], iteration_bounds = array<i64: 32>, scalar_prefetch = 0 : i64, scratch_operands = 0 : i64, tpu.core_type = #tpu.core_type<tc>, window_params = [{transform_indices = @transform_0, window_bounds = array<i64: 256, 8192>}, {pipeline_mode = #tpu.pipeline_mode<synchronous>, transform_indices = @transform_1, window_bounds = array<i64: 8192, 2>}, {transform_indices = @transform_2, window_bounds = array<i64: 256, 2>}, {transform_indices = @transform_3, window_bounds = array<i64: 256>}, {transform_indices = @transform_4, window_bounds = array<i64: 256, 2>}]} {
    %get3A = arith.constant 0 : index
    %get3A_0 = arith.constant 0 : index
    %get3A_1 = vector.load %arg1[%get3A, %get3A_0] : memref<256x8192xbf16, #tpu.memory_space<vmem>>, vector<256x8192xbf16>
    %get3A_2 = arith.constant 0 : index
    %get3A_3 = arith.constant 0 : index
    %get3A_4 = vector.load %arg2[%get3A_2, %get3A_3] : memref<8192x2xbf16, #tpu.memory_space<vmem>>, vector<8192x2xbf16>
    %dot_general3A = arith.constant dense<0.000000e+00> : vector<256x2xf32>
    %dot_general3A_5 = tpu.matmul %get3A_1, %get3A_4, %dot_general3A {dimension_numbers = #tpu.dot_dimension_numbers<[1], [0], [0], [1], [0, 0, 1, 1], [], []>, transpose_lhs_hint = false} : vector<256x8192xbf16>, vector<8192x2xbf16>, vector<256x2xf32> -> vector<256x2xf32>
    %get3A_6 = arith.constant 0 : index
    %get3A_7 = arith.constant 0 : index
    %get3A_8 = vector.load %arg3[%get3A_6, %get3A_7] : memref<256x2xf32, #tpu.memory_space<vmem>>, vector<256x2xf32>
    %add3A = arith.addf %dot_general3A_5, %get3A_8 : vector<256x2xf32>
    %get3A_9 = arith.constant 0 : index
    %get3A_10 = vector.load %arg4[%get3A_9] : memref<256xf32, #tpu.memory_space<vmem>>, vector<256xf32>
    %broadcast_in_dim3A = vector.shape_cast %get3A_10 : vector<256xf32> to vector<256x1xf32>
    %mul3A = vector.broadcast %broadcast_in_dim3A : vector<256x1xf32> to vector<256x2xf32>
    %mul3A_11 = arith.mulf %add3A, %mul3A : vector<256x2xf32>
    %reduce_max3A = arith.constant dense<0xFF800000> : vector<256xf32>
    %reduce_max3A_12 = vector.multi_reduction <maximumf>, %mul3A_11, %reduce_max3A [1] : vector<256x2xf32> to vector<256xf32>
    %broadcast_in_dim3A_13 = vector.shape_cast %reduce_max3A_12 : vector<256xf32> to vector<256x1xf32>
    %sub3A = vector.broadcast %broadcast_in_dim3A_13 : vector<256x1xf32> to vector<256x2xf32>
    %sub3A_14 = arith.subf %mul3A_11, %sub3A : vector<256x2xf32>
    %exp3A = math.exp %sub3A_14 : vector<256x2xf32>
    %reduce_sum3A = arith.constant dense<0.000000e+00> : vector<256xf32>
    %reduce_sum3A_15 = vector.multi_reduction <add>, %exp3A, %reduce_sum3A [1] : vector<256x2xf32> to vector<256xf32>
    %broadcast_in_dim3A_16 = vector.shape_cast %reduce_sum3A_15 : vector<256xf32> to vector<256x1xf32>
    %div3A = vector.broadcast %broadcast_in_dim3A_16 : vector<256x1xf32> to vector<256x2xf32>
    %div3A_17 = arith.divf %exp3A, %div3A : vector<256x2xf32>
    %swap3A = arith.constant 0 : index
    %swap3A_18 = arith.constant 0 : index
    %swap3A_19 = vector.load %arg5[%swap3A, %swap3A_18] : memref<256x2xf32, #tpu.memory_space<vmem>>, vector<256x2xf32>
    tpu.vector_store %arg5[%swap3A, %swap3A_18], %div3A_17 {strides = array<i32>} : memref<256x2xf32, #tpu.memory_space<vmem>>, vector<256x2xf32>,
    return
  }
  func.func @transform_0(%arg0: i32) -> (i32, i32) {
    %c0_i32 = arith.constant 0 : i32
    %c0_i32_0 = arith.constant 0 : i32
    return %arg0, %c0_i32 : i32, i32
  }
  func.func @transform_1(%arg0: i32) -> (i32, i32) {
    %c0_i32 = arith.constant 0 : i32
    %c0_i32_0 = arith.constant 0 : i32
    %c0_i32_1 = arith.constant 0 : i32
    return %c0_i32, %c0_i32_0 : i32, i32
  }
  func.func @transform_2(%arg0: i32) -> (i32, i32) {
    %c0_i32 = arith.constant 0 : i32
    %c0_i32_0 = arith.constant 0 : i32
    return %arg0, %c0_i32 : i32, i32
  }
  func.func @transform_3(%arg0: i32) -> i32 {
    %c0_i32 = arith.constant 0 : i32
    return %arg0 : i32
  }
  func.func @transform_4(%arg0: i32) -> (i32, i32) {
    %c0_i32 = arith.constant 0 : i32
    %c0_i32_0 = arith.constant 0 : i32
    return %arg0, %c0_i32 : i32, i32
  }
}

</mosaic_0001>

<sc_bundles>
// kernel: gather_offload_async_start.1
scs
__scs_entry_jumppad:
0x0: {  	(pc) =	sbr.rel $0x88, $3  }
0x1: {  	(tag) =	ssettag $0x0;
	lr =	simm.s32 $0x1  }
0x2: {  	[smem:$0x3F99] =	sst lr;
	_ =	strace $0xD0000000  }
0x3: {  	_ = 	snop  }
0x4: {  	_ = 	snop  }
0x5: {  	_ = 	snop  }
0x6: {  	_ = 	snop  }
0x7: {  	_ = 	snop  }
__scs_overlays_trampoline_lowered:
0x8: {  	[smem:$0x3FA8] =	sst s0  }
0x9: {  	[smem:$0x3FA9] =	sst s1  }
0xa: {  	[smem:$0x3FAA] =	sst s2  }
0xb: {  	[smem:$0x3FAB] =	sst s3  }
0xc: {  	[smem:$0x3FAC] =	sst s4  }
0xd: {  	[smem:$0x3FAD] =	sst s5  }
0xe: {  	[smem:$0x3FAE] =	sst s6  }
0xf: {  	[smem:$0x3FAF] =	sst s7  }
0x10: {  	[smem:$0x3FB0] =	sst s8  }
0x11: {  	[smem:$0x3FB1] =	sst s9;
	s0 =	simm.s32 @!p0 $0x0  }
0x12: {  	s1 =	sld [smem:$0x3F97];
	s0 =	simm.s32 @p0 $0x1  }
0x13: {  	[smem:$0x3FB2] =	sst s0;
	s0 =	simm.s32 @!p1 $0x0  }
0x14: {  	s2 =	sld [smem:$0x3F96];
	s0 =	simm.s32 @p1 $0x1  }
0x15: {  	[smem:$0x3FB3] =	sst s0;
	s0 =	simm.s32 @!p2 $0x0  }
0x16: {  	s3 =	sld [smem:$0x3FDB];
	s0 =	simm.s32 @p2 $0x1  }
0x17: {  	s4 =	simm.s32 $0x1BF5;
	[smem:$0x3FB5] =	sst s0  }
0x18: {  	s0 =	sld [smem:$0x3F98];
	_ =	swait.ge [sflag:s4], $0x0  }
0x19: {  	s7 =	sld [smem:$0x3F99]  }
0x1a: {  	s8 =	sadd.s32 $0xFFFFE003, lr  }
0x1b: {  	s9 =	sadd.s32 $0xFFFFFEF7, lr;
	s5 =	simm.s32 $0xFFFFFFFF;
	p2 =	slt.u32 s8, $0xFFFFF086  }
0x1c: {  	p1 =	slt.u32 s9, $0xF7A;
	s5 =	simm.s32 @!p2 $0x0  }
0x1d: {  	s5 =	simm.s32 @p1 $0x1;
	p0 =	seq.s32 s7, s2  }
0x1e: {  	s7 =	smul.u32 @!p0 $0xF7A, s2;
	p2 =	seq.s32 @!p0 s5, $0x0  }
0x1f: {  	s9 =	smul.u32 $0xF7A, s1;
	s8 =	simm.s32 @!p0 $0x1BF5;
	p2 =	por !p2, p0  }
0x20: {  	[sflag:s8] =	ssyncset.s32 @!p0 $0xFFFFF086;
	s6 =	sadd.s32 @!p0 s3, s7;
	s7 =	simm.s32 @!p0 $0x108  }
0x21: {  	s3 =	sadd.s32 s3, s9;
	s6 =	sadd.s32 @!p0 $0x88, s6;
	s7 =	simm.s32 @p2 $0x1082  }
0x22: {  	[simem:s7], [sflag:s8] =	dma.local @!p0 [hbm:s6], $0xF7A  }
0x23: {  	s9 =	sor.u32 $0xD0000000, s2;
	s6 =	simm.s32 $0x108;
	_ =	swait.ge @!p0 [sflag:s8], $0x0  }
0x24: {  	s3 =	sadd.s32 $0x88, s3;
	s6 =	simm.s32 @!p1 $0x1082;
	[sflag:s4] =	ssyncset.s32 $0xFFFFF086  }
0x25: {  	[simem:s6], [sflag:s4] =	dma.local [hbm:s3], $0xF7A  }
0x26: {  	[smem:$0x3F99] =	sst s1;
	(tag) =	ssettag s2;
	_ =	strace s9  }
0x27: {  	s1 =	sld [smem:$0x3FA9]  }
0x28: {  	s2 =	sld [smem:$0x3FAA]  }
0x29: {  	s4 =	sld [smem:$0x3FAC]  }
0x2a: {  	p0 =	seq.s32 s5, $0x0;
	s5 =	sld [smem:$0x3FAD]  }
0x2b: {  	s6 =	sld [smem:$0x3FAE]  }
0x2c: {  	s7 =	sld [smem:$0x3FAF]  }
0x2d: {  	s3 =	simm.s32 $0x108;
	s8 =	sld [smem:$0x3FB0]  }
0x2e: {  	s3 =	simm.s32 @!p0 $0x1082;
	s9 =	sld [smem:$0x3FB1]  }
0x2f: {  	lr =	sadd.s32 s0, s3;
	s0 =	sld [smem:$0x3FA8]  }
0x30: {  	s3 =	sld [smem:$0x3FAB]  }
0x31: {  	[smem:$0x3FB4] =	sst s10  }
0x32: {  	s10 =	sld [smem:$0x3FB2];
	_ =	sdelay $0x3  }
0x33: {  	p0 =	seq.s32 s10, $0x1;
	s10 =	sld [smem:$0x3FB4];
	_ =	sdelay $0x3  }
0x34: {  	[smem:$0x3FB4] =	sst s10  }
0x35: {  	s10 =	sld [smem:$0x3FB3];
	_ =	sdelay $0x3  }
0x36: {  	p1 =	seq.s32 s10, $0x1;
	s10 =	sld [smem:$0x3FB4];
	_ =	sdelay $0x3  }
0x37: {  	[smem:$0x3FB4] =	sst s10  }
0x38: {  	s10 =	sld [smem:$0x3FB5]  }
0x39: {  	_ = 	snop;
	(pc) =	sbr.ind lr, $3  }
0x3a: {  	_ = 	snop  }
0x3b: {  	_ = 	snop  }
0x3c: {  	p2 =	seq.s32 s10, $0x1;
	s10 =	sld [smem:$0x3FB4]  }
0x3d: {  	_ =	shalt  }
0x3e: {  	_ =	shalt  }
0x3f: {  	_ =	shalt  }
0x40: {  	_ =	shalt  }
0x41: {  	_ =	shalt  }
0x42: {  	_ =	shalt  }
0x43: {  	_ =	shalt  }
0x44: {  	_ =	shalt  }
0x45: {  	_ =	shalt  }
0x46: {  	_ =	shalt  }
0x47: {  	_ =	shalt  }
0x48: {  	_ =	shalt  }
0x49: {  	_ =	shalt  }
0x4a: {  	_ =	shalt  }
0x4b: {  	_ =	shalt  }
0x4c: {  	_ =	shalt  }
0x4d: {  	_ =	shalt  }
0x4e: {  	_ =	shalt  }
0x4f: {  	_ =	shalt  }
0x50: {  	_ =	shalt  }
0x51: {  	_ =	shalt  }
0x52: {  	_ =	shalt  }
0x53: {  	_ =	shalt  }
0x54: {  	_ =	shalt  }
0x55: {  	_ =	shalt  }
0x56: {  	_ =	shalt  }
0x57: {  	_ =	shalt  }
0x58: {  	_ =	shalt  }
0x59: {  	_ =	shalt  }
0x5a: {  	_ =	shalt  }
0x5b: {  	_ =	shalt  }
0x5c: {  	_ =	shalt  }
0x5d: {  	_ =	shalt  }
0x5e: {  	_ =	shalt  }
0x5f: {  	_ =	shalt  }
0x60: {  	_ =	shalt  }
0x61: {  	_ =	shalt  }
0x62: {  	_ =	shalt  }
0x63: {  	_ =	shalt  }
0x64: {  	_ =	shalt  }
0x65: {  	_ =	shalt  }
0x66: {  	_ =	shalt  }
0x67: {  	_ =	shalt  }
0x68: {  	_ =	shalt  }
0x69: {  	_ =	shalt  }
0x6a: {  	_ =	shalt  }
0x6b: {  	_ =	shalt  }
0x6c: {  	_ =	shalt  }
0x6d: {  	_ =	shalt  }
0x6e: {  	_ =	shalt  }
0x6f: {  	_ =	shalt  }
0x70: {  	_ =	shalt  }
0x71: {  	_ =	shalt  }
0x72: {  	_ =	shalt  }
0x73: {  	_ =	shalt  }
0x74: {  	_ =	shalt  }
0x75: {  	_ =	shalt  }
0x76: {  	_ =	shalt  }
0x77: {  	_ =	shalt  }
0x78: {  	_ =	shalt  }
0x79: {  	_ =	shalt  }
0x7a: {  	_ =	shalt  }
0x7b: {  	_ =	shalt  }
0x7c: {  	_ =	shalt  }
0x7d: {  	_ =	shalt  }
0x7e: {  	_ =	shalt  }
0x7f: {  	_ =	shalt  }
0x80: {  	_ =	shalt  }
0x81: {  	_ =	shalt  }
0x82: {  	_ =	shalt  }
0x83: {  	_ =	shalt  }
0x84: {  	_ =	shalt  }
0x85: {  	_ =	shalt  }
0x86: {  	_ =	shalt  }
0x87: {  	_ =	shalt  }
.Lfunc_end0:
.L_simem_size_0:
called_computation.1_lowered:
.L_overlay_start_0:
0x88: {  	s2 =	sld [smem:$0x3FD9]  }
0x89: {  	s3 =	sld [smem:$0x3FFE];
	_ =	sdelay $0x1  }
0x8a: {  	s1 =	srdreg.scid  }
0x8b: {  	s0 =	sand.u32 $0x1, s1  }
0x8c: {  	s17 =	sshll.u32 s0, $0xA;
	s2 =	sadd.s32 s3, s2  }
0x8d: {  	s2 =	sadd.s32 s2, s17  }
0x8e: {  	[smem:$0x3FC0] =	sst s2  }
0x8f: {  	_ = 	snop  }
0x90: {  	(tm) =	ssettm $0x1  }
0x91: {  	s18 =	sld [smem:$0x3FFB];
	_ =	sdelay $0x3  }
0x92: {  	_ =	strace s18  }
0x93: {  	s2 =	sld [smem:$0x3FFC];
	_ =	sdelay $0x3  }
0x94: {  	_ =	strace s2  }
0x95: {  	s2 =	sld [smem:$0x3FFD];
	_ =	sdelay $0x3  }
0x96: {  	_ =	strace s2  }
0x97: {  	_ =	strace $0x8FFFFFFF  }
0x98: {  	s19 =	sld [smem:$0x3FDB];
	_ =	sdelay $0x1  }
0x99: {  	s20 =	simm.s32 $_scs_section_size  }
0x9a: {  	s4 =	simm.s32 $_size__tile_overlayer_lowered;
	s5 =	simm.s32 $_tile_overlayer_lowered  }
0x9b: {  	s6 =	simm.s32 $0x1BFF;
	s21 =	sshll.u32 s5, $0x1;
	s3 =	sadd.s32 s20, s19  }
0x9c: {  	s22 =	simm.s32 $0x0;
	s4 =	sshll.u32 s4, $0x1;
	s5 =	sadd.s32 s21, s3  }
0x9d: {  	[timem:s22], [sflag:s6] =	dma.local [hbm:s5], s4  }
0x9e: {  	_ =	swait.ge [sflag:s6], s4  }
0x9f: {  	s4 =	ssub.s32 $0x0, s4;
	[sflag:s6] =	ssyncset.done $0x0  }
0xa0: {  	[sflag:s6] =	ssyncadd.s32 s4;
	_ =	sdelay $0x1  }
0xa1: {  	s23 =	simm.s32 $0x1B8B  }
0xa2: {  	_ =	swait.ge [sflag:s23], $0x1  }
0xa3: {  	[sflag:s23] =	ssyncset.done $0x0  }
0xa4: {  	[sflag:s23] =	ssyncadd.s32 $0xFFFFFFFF  }
0xa5: {  	s4 =	sld [smem:$0x0]  }
0xa6: {  	s5 =	sand.u32 $0xFFFFFFFE, s1  }
0xa7: {  	p0 =	sne.s32 s1, s5  }
0xa8: {  	s5 =	sshll.u32 @p0 s5, $0xE  }
0xa9: {  	s5 =	sadd.s32 @p0 $0x11B8D, s5;
	s6 =	sshll.u32 @p0 s4, $0x11  }
0xaa: {  	s5 =	sor.u32 @p0 s6, s5  }
0xab: {  	[sflag:s5] =	ssyncadd.remote.s32 @p0 $0x1;
	_ =	sdelay $0x1  }
0xac: {  	s5 =	simm.s32 @p0 $0x1B8D  }
0xad: {  	_ =	swait.eq @p0 [sflag:s5], $0x1  }
0xae: {  	[sflag:s5] =	ssyncadd.s32 @p0 $0xFFFFFFFF  }
0xaf: {  	s6 =	sshll.u32 @!p0 s1, $0xE  }
0xb0: {  	s6 =	sor.u32 @!p0 $0x4000, s6;
	s5 =	simm.s32 @!p0 $0x1B8D  }
0xb1: {  	s4 =	sshll.u32 @!p0 s4, $0x11;
	s6 =	sadd.s32 @!p0 $0x11B8D, s6;
	_ =	swait.eq @!p0 [sflag:s5], $0x1  }
0xb2: {  	s4 =	sor.u32 @!p0 s4, s6;
	[sflag:s5] =	ssyncadd.s32 @!p0 $0xFFFFFFFF  }
0xb3: {  	s25 =	simm.s32 $0x1B8E;
	s24 =	sld [smem:$0x3FFE];
	[sflag:s4] =	ssyncadd.remote.s32 @!p0 $0x1  }
0xb4: {  	s26 =	simm.s32 $execute0_lowered;
	[smem:$0x3FD2] =	sst s25  }
0xb5: {  	s5 =	sshll.u32 s26, $0x1;
	_ =	strace $0x80000049;
	[dreg:$0x1] =	wrdreg $0xFFFFFFFF  }
0xb6: {  	s28 =	simm.s32 $_size_execute0_lowered;
	s3 =	sadd.s32 s3, s5;
	[dreg:$0x0] =	wrdreg $0x0  }
0xb7: {  	s5 =	sshll.u32 s28, $0x1;
	[dreg:$0x2] =	wrdreg s3  }
0xb8: {  	[dreg:$0x3] =	wrdreg s5  }
0xb9: {  	[dreg:$0x4] =	wrdreg $0xC0  }
0xba: {  	_ =	task [dreg:s22], $0x5FFFF  }
0xbb: {  	[dreg:$0x1] =	wrdreg $0xFFFFFFFF  }
0xbc: {  	[dreg:$0x0] =	wrdreg $0x60  }
0xbd: {  	[dreg:$0x2] =	wrdreg s24  }
0xbe: {  	[dreg:$0x3] =	wrdreg $0xA  }
0xbf: {  	_ =	task.clear_ibuf [dreg:s22], $0x4FFFF;
	_ =	strace $0x90000049  }
0xc0: {  	s29 =	simm.s32 $0xA;
	_ =	strace $0x8000004B  }
0xc1: {  	_ =	swait.ge [sflag:s29], $0x1  }
0xc2: {  	[sflag:s29] =	ssyncadd.s32 $0xFFFFFFFF  }
0xc3: {  	_ =	strace $0x9000004B  }
0xc4: {  	_ =	sfence  }
0xc5: {  	s30 =	sld [smem:$0x0];
	_ =	sdelay $0x2  }
0xc6: {  	s31 =	sshll.u32 s1, $0xD;
	s1 =	sshrl.u32 s1, $0x2  }
0xc7: {  	s4 =	sand.u32 $0x4000, s31;
	s1 =	sadd.s32 s1, s30  }
0xc8: {  	s0 =	sor.u32 s4, s0;
	s1 =	sshll.u32 s1, $0x11  }
0xc9: {  	s0 =	sor.u32 s1, s0  }
0xca: {  	s0 =	sadd.s32 $0x8F2B, s0  }
0xcb: {  	[sflag:s0] =	ssyncadd.remote.s32 $0x1  }
0xcc: {  	_ =	sfence.sel $0xFFFF  }
0xcd: {  	[dreg:$0x0] =	wrdreg $0xFFFFFFFF;
	(pc) =	sbr.abs _section_cstart, $3  }
0xce: {  	[dreg:$0x1] =	wrdreg $0xFFFFFFFF  }
0xcf: {  	_ =	task.clear_ibuf [dreg:s22], $0x2FFFF;
	_ =	strace $0x9FFFFFFF  }
0xd0: {  	(tm) =	ssettm $0x7FFFFFFF  }
0xd1: {  	_ =	shalt  }
tec
execute0_lowered:
.L_overlay_start_1:
0x0: {  	(tag) =	ssettag $0x1  }
0x1: {  	s7 =	rddreg [dreg:$0x0]  }
0x2: {  	s0 =	rddreg [dreg:$0x1];
	_ =	strace $0x8000004A  }
0x3: {  	s1 =	srdreg.scid;
	s4 =	simm.s32 $0x1;
	s9 =	simm.s32 $0x3  }
0x4: {  	s12 =	simm.s32 $0x0;
	s10 =	simm.s32 $0x0;
	s5 =	sshll.u32 s1, $0x4  }
.Ltmp0:
0x5: {  	s1 =	stileid.u32;
	s5 =	sand.u32 $0x10, s5;
	(pc) =	sbr.rel .LBB2_1-.Ltmp0, $4  }
0x6: {  	s2 =	sadd.s32 $0x400400, s7;
	s3 =	sadd.s32 $0x420400, s7;
	s6 =	sor.u32 s1, s5  }
0x7: {  	[sflag:s4] =	ssyncpa.u1 $0x0;
	s5 =	simm.s32 $0x2;
	s6 =	sshll.u32 s6, $0x7  }
0x8: {  	s7 =	sadd.s32 $0x420800, s7;
	[sflag:s5] =	ssyncpa.u1 $0x0;
	s8 =	sadd.s32 $0x80, s6  }
0x9: {  	vm0 =	vmmov $0xff;
	vm1 =	vcmask $0x3F20;
	[sflag:s9] =	ssyncpa.u1 $0x0;
	s9 =	simm.s32 $0x80;
	s11 =	smov.u32 s6  }
.LBB2_9:
0xa: {  	p0 =	seq.s32 s10, $0x2  }
.Ltmp1:
0xb: {  	_ = 	snop;
	(pc) =	sbr.rel @p0 .LBB2_11-.Ltmp1, $1  }
0xc: {  	_ =	sdelay $0x3  }
.LBB2_10:
0xd: {  	s12 =	sadd.s32 $0x80, s11  }
0xe: {  	s13 =	smov.u32 s6;
	p0 =	slt.s32 s12, s8  }
0xf: {  	s13 =	smov.u32 @p0 s12  }
0x10: {  	s10 =	sadd.s32 $0x1, s10;
	s12 =	smov.u32 s11;
	s11 =	smov.u32 s13  }
.LBB2_1:
0x11: {  	p0 =	sne.s32 s10, $0x0  }
.Ltmp2:
0x12: {  	_ = 	snop;
	(pc) =	sbr.rel @!p0 .LBB2_2-.Ltmp2, $1  }
0x13: {  	_ =	sdelay $0x3  }
0x14: {  	s13 =	sand.u32 $0x1, s10  }
0x15: {  	p0 =	seq.s32 s13, $0x0  }
.Ltmp3:
0x16: {  	_ = 	snop;
	(pc) =	sbr.rel @p0 .LBB2_9-.Ltmp3, $1  }
0x17: {  	_ =	sdelay $0x3  }
0x18: {  	_ =	swait.ge [sflag:s5], $0x80  }
0x19: {  	[sflag:s5] =	ssyncset.done $0x0  }
0x1a: {  	s13 =	simm.s32 $0x0;
	[sflag:s5] =	ssyncadd.s32 $0xFFFFFF80  }
0x1b: {  	v0 =	vld.msk [tilespmem:s13+$0x80 ss:$0x1], $0xffff;
	_ =	sdelay $0x4  }
0x1c: {  	vm2 =	vgt.s32 v0, $0x0  }
0x1d: {  	v0 =	vnsel vm2, $0x0, v0  }
0x1e: {  	v0 =	vmin.u32 v0, $0x1FFF  }
0x1f: {  	v0 =	vshll.u32 v0, $0x4;
	_ =	sdelay $0x3  }
0x20: {  	s13 =	simm.s32 $0x4100  }
0x21: {  	[tilespmem:s13], [sflag:$0x1] =	stream.indirect_vreg.gather [hbm:s2], $0x80, v0, vm0, $0x38;
	[tilespmem:$0x8100] =	vst v63  }
0x22: {  	s14 =	simm.s32 $0x4500;
	s31 =	simm.s32 $0x10  }
0x23: {  	[tilespmem:s14], [sflag:$0x1] =	stream.indirect_vreg.gather [hbm:s2], $0x80, v0, vm1, $0x38;
	[tilespmem:$0x8100] =	vst v63  }
0x24: {  	s14 =	simm.s32 $0x80;
	v0 =	vld.msk [tilespmem:s31+$0x80 ss:$0x1], $0xffff  }
.LBB2_5:
0x25: {  	p0 =	sne.s32 s14, $0x1C0;
	_ =	sdelay $0x4  }
0x26: {  	vm2 =	vgt.s32 v0, $0x0  }
0x27: {  	v0 =	vnsel vm2, $0x0, v0  }
0x28: {  	v0 =	vmin.u32 v0, $0x1FFF  }
0x29: {  	v0 =	vshll.u32 v0, $0x4;
	_ =	sdelay $0x3  }
.Ltmp4:
0x2a: {  	s13 =	sadd.s32 $0x800, s13;
	(pc) =	sbr.rel @p0 .LBB2_5-.Ltmp4, $4  }
0x2b: {  	[tilespmem:s13], [sflag:$0x1] =	stream.indirect_vreg.gather [hbm:s2], $0x80, v0, vm0, $0x38;
	[tilespmem:$0x8100] =	vst v63  }
0x2c: {  	s15 =	sshra.s32 s14, $0x2;
	s16 =	sadd.s32 $0x400, s13  }
0x2d: {  	[tilespmem:s16], [sflag:$0x1] =	stream.indirect_vreg.gather [hbm:s2], $0x80, v0, vm1, $0x38;
	[tilespmem:$0x8100] =	vst v63  }
0x2e: {  	s14 =	sadd.s32 $0x40, s14;
	v0 =	vld.msk [tilespmem:s15+$0x80 ss:$0x1], $0xffff  }
0x2f: {  	_ =	sdelay $0x3  }
0x30: {  	vm2 =	vgt.s32 v0, $0x0  }
0x31: {  	v0 =	vnsel vm2, $0x0, v0  }
0x32: {  	v0 =	vmin.u32 v0, $0x1FFF  }
0x33: {  	v0 =	vshll.u32 v0, $0x4;
	_ =	sdelay $0x3  }
0x34: {  	s13 =	sadd.s32 $0x800, s13  }
0x35: {  	[tilespmem:s13], [sflag:$0x1] =	stream.indirect_vreg.gather [hbm:s2], $0x80, v0, vm0, $0x38;
	[tilespmem:$0x8100] =	vst v63  }
0x36: {  	s13 =	sadd.s32 $0x400, s13  }
0x37: {  	[tilespmem:s13], [sflag:$0x1] =	stream.indirect_vreg.gather [hbm:s2], $0x80, v0, vm1, $0x38;
	[tilespmem:$0x8100] =	vst v63  }
0x38: {  	s12 =	sshll.u32 s12, $0x4;
	s14 =	simm.s32 $0x80;
	_ =	swait.ge [sflag:s4], $0x4000  }
0x39: {  	s15 =	simm.s32 $0x4500;
	s12 =	sadd.s32 s12, s7;
	[sflag:s4] =	ssyncset.done $0x0  }
0x3a: {  	s16 =	sadd.s32 $0x0, s12;
	s13 =	simm.s32 $0x4100;
	[sflag:s4] =	ssyncadd.s32 $0xFFFFC000  }
.LBB2_7:
0x3b: {  	[hbm:s16] =	stream.linear.scatter [tilespmem:s13], [sflag:$0x3], $0x400, $0x38;
	[tilespmem:$0x8100] =	vst v63  }
0x3c: {  	s16 =	smov.u32 s14;
	s13 =	smov.u32 s15;
	p0 =	sne.s32 s14, $0x780  }
.Ltmp5:
0x3d: {  	s14 =	sadd.s32 $0x80, s14;
	(pc) =	sbr.rel @p0 .LBB2_7-.Ltmp5, $2  }
0x3e: {  	_ =	sdelay $0x2  }
0x3f: {  	s15 =	sadd.s32 $0x400, s15;
	s16 =	sadd.s32 s16, s12  }
.Ltmp6:
0x40: {  	(pc) =	sbr.rel .LBB2_9-.Ltmp6, $2  }
0x41: {  	_ =	sdelay $0x2  }
0x42: {  	[hbm:s16] =	stream.linear.scatter [tilespmem:s13], [sflag:$0x3], $0x400, $0x38;
	[tilespmem:$0x8100] =	vst v63  }
.LBB2_2:
.Ltmp7:
0x43: {  	(pc) =	sbr.rel .LBB2_10-.Ltmp7, $4  }
0x44: {  	_ = 	snop  }
0x45: {  	s12 =	sshrl.u32 s11, $0x3  }
0x46: {  	s13 =	sand.u32 $0x7, s11;
	s12 =	sadd.s32 s3, s12  }
0x47: {  	[tilespmem:s9], [sflag:$0x2] =	stream.linear.gather [hbm4b:s12+s13], $0x80, $0x38;
	[tilespmem:$0x8100] =	vst v63  }
.LBB2_11:
0x48: {  	s2 =	simm.s32 $0x3  }
0x49: {  	_ =	swait.ge [sflag:s2], $0x4000  }
0x4a: {  	[sflag:s2] =	ssyncset.done $0x0  }
0x4b: {  	[sflag:s2] =	ssyncadd.s32 $0xFFFFC000  }
0x4c: {  	_ =	sfence.sel $0x180000  }
0x4d: {  	s3 =	simm.s32 $0x2;
	[bflag:$0x0] =	sbarrier.arrive $0xFFFF  }
0x4e: {  	[sflag:s3] =	ssyncpa.u1 $0x1  }
0x4f: {  	s31 =	simm.s32 $0x1;
	[sflag:s2] =	ssyncpa.u1 $0x1  }
0x50: {  	[sflag:s31] =	ssyncpa.u1 $0x1  }
0x51: {  	p0 =	sne.s32 s1, $0x0;
	_ =	strace $0x9000004A  }
0x52: {  	s0 =	sadd.s32 @!p0 $0x100000, s0;
	[bflag:$0x2] =	sbarrier.arrive $0xFFFF  }
0x53: {  	[sflag:s0] =	ssyncadd.tile.s32 @!p0 $0x1;
	_ =	shalt  }
.Lfunc_end2:
_tile_overlayer_lowered:
.L_overlay_start_2:
0x54: {  	(tag) =	ssettag $0x2  }
0x55: {  	s0 =	rddreg [dreg:$0x0];
	s2 =	stileid.u32  }
0x56: {  	s1 =	rddreg [dreg:$0x1];
	p0 =	sne.s32 s2, $0x0  }
0x57: {  	s3 =	rddreg [dreg:$0x2];
	[bflag:$0x3] =	sbarrier.arrive $0xFFFF;
	s2 =	simm.s32 @!p0 $0x1C01  }
0x58: {  	[timem:s3], [sflag:s2] =	dma.local @!p0 [hbm:s0], s1  }
0x59: {  	s0 =	simm.s32 @!p0 $0x1  }
0x5a: {  	_ =	swait.ge @!p0 [sflag:s0], s1  }
0x5b: {  	s1 =	ssub.s32 @!p0 $0x0, s1;
	[sflag:s0] =	ssyncset.done @!p0 $0x0  }
0x5c: {  	[sflag:s0] =	ssyncadd.s32 @!p0 s1  }
0x5d: {  	[bflag:$0x3] =	sbarrier.arrive $0xFFFF  }
0x5e: {  	_ =	shalt  }

// kernel: gather_offload_async_start.2
scs
__scs_entry_jumppad:
0x0: {  	(pc) =	sbr.rel $0x88, $3  }
0x1: {  	(tag) =	ssettag $0x0;
	lr =	simm.s32 $0x1  }
0x2: {  	[smem:$0x3F99] =	sst lr;
	_ =	strace $0xD0000000  }
0x3: {  	_ = 	snop  }
0x4: {  	_ = 	snop  }
0x5: {  	_ = 	snop  }
0x6: {  	_ = 	snop  }
0x7: {  	_ = 	snop  }
__scs_overlays_trampoline_lowered:
0x8: {  	[smem:$0x3FA8] =	sst s0  }
0x9: {  	[smem:$0x3FA9] =	sst s1  }
0xa: {  	[smem:$0x3FAA] =	sst s2  }
0xb: {  	[smem:$0x3FAB] =	sst s3  }
0xc: {  	[smem:$0x3FAC] =	sst s4  }
0xd: {  	[smem:$0x3FAD] =	sst s5  }
0xe: {  	[smem:$0x3FAE] =	sst s6  }
0xf: {  	[smem:$0x3FAF] =	sst s7  }
0x10: {  	[smem:$0x3FB0] =	sst s8  }
0x11: {  	[smem:$0x3FB1] =	sst s9;
	s0 =	simm.s32 @!p0 $0x0  }
0x12: {  	s1 =	sld [smem:$0x3F97];
	s0 =	simm.s32 @p0 $0x1  }
0x13: {  	[smem:$0x3FB2] =	sst s0;
	s0 =	simm.s32 @!p1 $0x0  }
0x14: {  	s2 =	sld [smem:$0x3F96];
	s0 =	simm.s32 @p1 $0x1  }
0x15: {  	[smem:$0x3FB3] =	sst s0;
	s0 =	simm.s32 @!p2 $0x0  }
0x16: {  	s3 =	sld [smem:$0x3FDB];
	s0 =	simm.s32 @p2 $0x1  }
0x17: {  	s4 =	simm.s32 $0x1BF5;
	[smem:$0x3FB5] =	sst s0  }
0x18: {  	s0 =	sld [smem:$0x3F98];
	_ =	swait.ge [sflag:s4], $0x0  }
0x19: {  	s7 =	sld [smem:$0x3F99]  }
0x1a: {  	s8 =	sadd.s32 $0xFFFFE003, lr  }
0x1b: {  	s9 =	sadd.s32 $0xFFFFFEF7, lr;
	s5 =	simm.s32 $0xFFFFFFFF;
	p2 =	slt.u32 s8, $0xFFFFF086  }
0x1c: {  	p1 =	slt.u32 s9, $0xF7A;
	s5 =	simm.s32 @!p2 $0x0  }
0x1d: {  	s5 =	simm.s32 @p1 $0x1;
	p0 =	seq.s32 s7, s2  }
0x1e: {  	s7 =	smul.u32 @!p0 $0xF7A, s2;
	p2 =	seq.s32 @!p0 s5, $0x0  }
0x1f: {  	s9 =	smul.u32 $0xF7A, s1;
	s8 =	simm.s32 @!p0 $0x1BF5;
	p2 =	por !p2, p0  }
0x20: {  	[sflag:s8] =	ssyncset.s32 @!p0 $0xFFFFF086;
	s6 =	sadd.s32 @!p0 s3, s7;
	s7 =	simm.s32 @!p0 $0x108  }
0x21: {  	s3 =	sadd.s32 s3, s9;
	s6 =	sadd.s32 @!p0 $0x88, s6;
	s7 =	simm.s32 @p2 $0x1082  }
0x22: {  	[simem:s7], [sflag:s8] =	dma.local @!p0 [hbm:s6], $0xF7A  }
0x23: {  	s9 =	sor.u32 $0xD0000000, s2;
	s6 =	simm.s32 $0x108;
	_ =	swait.ge @!p0 [sflag:s8], $0x0  }
0x24: {  	s3 =	sadd.s32 $0x88, s3;
	s6 =	simm.s32 @!p1 $0x1082;
	[sflag:s4] =	ssyncset.s32 $0xFFFFF086  }
0x25: {  	[simem:s6], [sflag:s4] =	dma.local [hbm:s3], $0xF7A  }
0x26: {  	[smem:$0x3F99] =	sst s1;
	(tag) =	ssettag s2;
	_ =	strace s9  }
0x27: {  	s1 =	sld [smem:$0x3FA9]  }
0x28: {  	s2 =	sld [smem:$0x3FAA]  }
0x29: {  	s4 =	sld [smem:$0x3FAC]  }
0x2a: {  	p0 =	seq.s32 s5, $0x0;
	s5 =	sld [smem:$0x3FAD]  }
0x2b: {  	s6 =	sld [smem:$0x3FAE]  }
0x2c: {  	s7 =	sld [smem:$0x3FAF]  }
0x2d: {  	s3 =	simm.s32 $0x108;
	s8 =	sld [smem:$0x3FB0]  }
0x2e: {  	s3 =	simm.s32 @!p0 $0x1082;
	s9 =	sld [smem:$0x3FB1]  }
0x2f: {  	lr =	sadd.s32 s0, s3;
	s0 =	sld [smem:$0x3FA8]  }
0x30: {  	s3 =	sld [smem:$0x3FAB]  }
0x31: {  	[smem:$0x3FB4] =	sst s10  }
0x32: {  	s10 =	sld [smem:$0x3FB2];
	_ =	sdelay $0x3  }
0x33: {  	p0 =	seq.s32 s10, $0x1;
	s10 =	sld [smem:$0x3FB4];
	_ =	sdelay $0x3  }
0x34: {  	[smem:$0x3FB4] =	sst s10  }
0x35: {  	s10 =	sld [smem:$0x3FB3];
	_ =	sdelay $0x3  }
0x36: {  	p1 =	seq.s32 s10, $0x1;
	s10 =	sld [smem:$0x3FB4];
	_ =	sdelay $0x3  }
0x37: {  	[smem:$0x3FB4] =	sst s10  }
0x38: {  	s10 =	sld [smem:$0x3FB5]  }
0x39: {  	_ = 	snop;
	(pc) =	sbr.ind lr, $3  }
0x3a: {  	_ = 	snop  }
0x3b: {  	_ = 	snop  }
0x3c: {  	p2 =	seq.s32 s10, $0x1;
	s10 =	sld [smem:$0x3FB4]  }
0x3d: {  	_ =	shalt  }
0x3e: {  	_ =	shalt  }
0x3f: {  	_ =	shalt  }
0x40: {  	_ =	shalt  }
0x41: {  	_ =	shalt  }
0x42: {  	_ =	shalt  }
0x43: {  	_ =	shalt  }
0x44: {  	_ =	shalt  }
0x45: {  	_ =	shalt  }
0x46: {  	_ =	shalt  }
0x47: {  	_ =	shalt  }
0x48: {  	_ =	shalt  }
0x49: {  	_ =	shalt  }
0x4a: {  	_ =	shalt  }
0x4b: {  	_ =	shalt  }
0x4c: {  	_ =	shalt  }
0x4d: {  	_ =	shalt  }
0x4e: {  	_ =	shalt  }
0x4f: {  	_ =	shalt  }
0x50: {  	_ =	shalt  }
0x51: {  	_ =	shalt  }
0x52: {  	_ =	shalt  }
0x53: {  	_ =	shalt  }
0x54: {  	_ =	shalt  }
0x55: {  	_ =	shalt  }
0x56: {  	_ =	shalt  }
0x57: {  	_ =	shalt  }
0x58: {  	_ =	shalt  }
0x59: {  	_ =	shalt  }
0x5a: {  	_ =	shalt  }
0x5b: {  	_ =	shalt  }
0x5c: {  	_ =	shalt  }
0x5d: {  	_ =	shalt  }
0x5e: {  	_ =	shalt  }
0x5f: {  	_ =	shalt  }
0x60: {  	_ =	shalt  }
0x61: {  	_ =	shalt  }
0x62: {  	_ =	shalt  }
0x63: {  	_ =	shalt  }
0x64: {  	_ =	shalt  }
0x65: {  	_ =	shalt  }
0x66: {  	_ =	shalt  }
0x67: {  	_ =	shalt  }
0x68: {  	_ =	shalt  }
0x69: {  	_ =	shalt  }
0x6a: {  	_ =	shalt  }
0x6b: {  	_ =	shalt  }
0x6c: {  	_ =	shalt  }
0x6d: {  	_ =	shalt  }
0x6e: {  	_ =	shalt  }
0x6f: {  	_ =	shalt  }
0x70: {  	_ =	shalt  }
0x71: {  	_ =	shalt  }
0x72: {  	_ =	shalt  }
0x73: {  	_ =	shalt  }
0x74: {  	_ =	shalt  }
0x75: {  	_ =	shalt  }
0x76: {  	_ =	shalt  }
0x77: {  	_ =	shalt  }
0x78: {  	_ =	shalt  }
0x79: {  	_ =	shalt  }
0x7a: {  	_ =	shalt  }
0x7b: {  	_ =	shalt  }
0x7c: {  	_ =	shalt  }
0x7d: {  	_ =	shalt  }
0x7e: {  	_ =	shalt  }
0x7f: {  	_ =	shalt  }
0x80: {  	_ =	shalt  }
0x81: {  	_ =	shalt  }
0x82: {  	_ =	shalt  }
0x83: {  	_ =	shalt  }
0x84: {  	_ =	shalt  }
0x85: {  	_ =	shalt  }
0x86: {  	_ =	shalt  }
0x87: {  	_ =	shalt  }
.Lfunc_end0:
.L_simem_size_0:
called_computation.2_lowered:
.L_overlay_start_0:
0x88: {  	s2 =	sld [smem:$0x3FD9]  }
0x89: {  	s3 =	sld [smem:$0x3FFE];
	_ =	sdelay $0x1  }
0x8a: {  	s1 =	srdreg.scid  }
0x8b: {  	s0 =	sand.u32 $0x1, s1  }
0x8c: {  	s16 =	sshll.u32 s0, $0xA;
	s2 =	sadd.s32 s3, s2  }
0x8d: {  	s2 =	sadd.s32 s2, s16  }
0x8e: {  	[smem:$0x3FC0] =	sst s2  }
0x8f: {  	_ = 	snop  }
0x90: {  	(tm) =	ssettm $0x1  }
0x91: {  	s17 =	sld [smem:$0x3FFB];
	_ =	sdelay $0x3  }
0x92: {  	_ =	strace s17  }
0x93: {  	s2 =	sld [smem:$0x3FFC];
	_ =	sdelay $0x3  }
0x94: {  	_ =	strace s2  }
0x95: {  	s2 =	sld [smem:$0x3FFD];
	_ =	sdelay $0x3  }
0x96: {  	_ =	strace s2  }
0x97: {  	_ =	strace $0x8FFFFFFF  }
0x98: {  	s18 =	sld [smem:$0x3FDB];
	_ =	sdelay $0x1  }
0x99: {  	s19 =	simm.s32 $_scs_section_size  }
0x9a: {  	s4 =	simm.s32 $_size__tile_overlayer_lowered;
	s5 =	simm.s32 $_tile_overlayer_lowered  }
0x9b: {  	s22 =	simm.s32 $0x1BFF;
	s21 =	sshll.u32 s5, $0x1;
	s2 =	sadd.s32 s19, s18  }
0x9c: {  	s6 =	simm.s32 $0x0;
	s20 =	sshll.u32 s4, $0x1;
	s4 =	sadd.s32 s21, s2  }
0x9d: {  	[timem:s6], [sflag:s22] =	dma.local [hbm:s4], s20  }
0x9e: {  	_ =	swait.ge [sflag:s22], s20  }
0x9f: {  	s3 =	ssub.s32 $0x0, s20;
	[sflag:s22] =	ssyncset.done $0x0  }
0xa0: {  	[sflag:s22] =	ssyncadd.s32 s3;
	_ =	sdelay $0x1  }
0xa1: {  	s23 =	simm.s32 $0x1B8B  }
0xa2: {  	_ =	swait.ge [sflag:s23], $0x1  }
0xa3: {  	[sflag:s23] =	ssyncset.done $0x0  }
0xa4: {  	s25 =	simm.s32 $0x1B8E;
	s24 =	sld [smem:$0x3FFE];
	[sflag:s23] =	ssyncadd.s32 $0xFFFFFFFF  }
0xa5: {  	s26 =	simm.s32 $execute0_lowered;
	[smem:$0x3FD2] =	sst s25  }
0xa6: {  	s4 =	sshll.u32 s26, $0x1;
	_ =	strace $0x8000004C;
	[dreg:$0x1] =	wrdreg $0xFFFFFFFF  }
0xa7: {  	s28 =	simm.s32 $_size_execute0_lowered;
	s2 =	sadd.s32 s2, s4;
	[dreg:$0x0] =	wrdreg $0x0  }
0xa8: {  	s4 =	sshll.u32 s28, $0x1;
	[dreg:$0x2] =	wrdreg s2  }
0xa9: {  	[dreg:$0x3] =	wrdreg s4  }
0xaa: {  	[dreg:$0x4] =	wrdreg $0xC0  }
0xab: {  	_ =	task [dreg:s6], $0x5FFFF  }
0xac: {  	[dreg:$0x1] =	wrdreg $0xFFFFFFFF  }
0xad: {  	[dreg:$0x0] =	wrdreg $0x60  }
0xae: {  	[dreg:$0x2] =	wrdreg s24  }
0xaf: {  	[dreg:$0x3] =	wrdreg $0x9  }
0xb0: {  	_ =	task.clear_ibuf [dreg:s6], $0x4FFFF;
	_ =	strace $0x9000004C  }
0xb1: {  	s29 =	simm.s32 $0x9;
	_ =	strace $0x8000004E  }
0xb2: {  	_ =	swait.ge [sflag:s29], $0x1  }
0xb3: {  	[sflag:s29] =	ssyncadd.s32 $0xFFFFFFFF  }
0xb4: {  	_ =	strace $0x9000004E  }
0xb5: {  	_ =	sfence  }
0xb6: {  	s30 =	sld [smem:$0x0];
	_ =	sdelay $0x2  }
0xb7: {  	s31 =	sshll.u32 s1, $0xD;
	s1 =	sshrl.u32 s1, $0x2  }
0xb8: {  	s3 =	sand.u32 $0x4000, s31;
	s1 =	sadd.s32 s1, s30  }
0xb9: {  	s0 =	sor.u32 s3, s0;
	s1 =	sshll.u32 s1, $0x11  }
0xba: {  	s0 =	sor.u32 s1, s0  }
0xbb: {  	s0 =	sadd.s32 $0x8F2B, s0  }
0xbc: {  	[sflag:s0] =	ssyncadd.remote.s32 $0x1  }
0xbd: {  	_ =	sfence.sel $0xFFFF  }
0xbe: {  	[dreg:$0x0] =	wrdreg $0xFFFFFFFF;
	(pc) =	sbr.abs _section_cstart, $3  }
0xbf: {  	[dreg:$0x1] =	wrdreg $0xFFFFFFFF  }
0xc0: {  	_ =	task.clear_ibuf [dreg:s6], $0x2FFFF;
	_ =	strace $0x9FFFFFFF  }
0xc1: {  	(tm) =	ssettm $0x7FFFFFFF  }
tec
execute0_lowered:
.L_overlay_start_1:
0x0: {  	(tag) =	ssettag $0x1  }
0x1: {  	s7 =	rddreg [dreg:$0x0]  }
0x2: {  	s0 =	rddreg [dreg:$0x1];
	_ =	strace $0x8000004D  }
0x3: {  	s1 =	srdreg.scid;
	s4 =	simm.s32 $0x1;
	s9 =	simm.s32 $0x3  }
0x4: {  	s12 =	simm.s32 $0x0;
	s10 =	simm.s32 $0x0;
	s5 =	sshll.u32 s1, $0x4  }
.Ltmp0:
0x5: {  	s1 =	stileid.u32;
	s5 =	sand.u32 $0x10, s5;
	(pc) =	sbr.rel .LBB2_1-.Ltmp0, $4  }
0x6: {  	s2 =	sadd.s32 $0x400400, s7;
	s3 =	sadd.s32 $0x420400, s7;
	s6 =	sor.u32 s1, s5  }
0x7: {  	[sflag:s4] =	ssyncpa.u1 $0x0;
	s5 =	simm.s32 $0x2;
	s6 =	sshll.u32 s6, $0x7  }
0x8: {  	s7 =	sadd.s32 $0x420600, s7;
	[sflag:s5] =	ssyncpa.u1 $0x0;
	s8 =	sadd.s32 $0x80, s6  }
0x9: {  	vm0 =	vmmov $0xff;
	vm1 =	vcmask $0x3F20;
	[sflag:s9] =	ssyncpa.u1 $0x0;
	s9 =	simm.s32 $0x80;
	s11 =	smov.u32 s6  }
.LBB2_9:
0xa: {  	p0 =	seq.s32 s10, $0x2  }
.Ltmp1:
0xb: {  	_ = 	snop;
	(pc) =	sbr.rel @p0 .LBB2_11-.Ltmp1, $1  }
0xc: {  	_ =	sdelay $0x3  }
.LBB2_10:
0xd: {  	s12 =	sadd.s32 $0x80, s11  }
0xe: {  	s13 =	smov.u32 s6;
	p0 =	slt.s32 s12, s8  }
0xf: {  	s13 =	smov.u32 @p0 s12  }
0x10: {  	s10 =	sadd.s32 $0x1, s10;
	s12 =	smov.u32 s11;
	s11 =	smov.u32 s13  }
.LBB2_1:
0x11: {  	p0 =	sne.s32 s10, $0x0  }
.Ltmp2:
0x12: {  	_ = 	snop;
	(pc) =	sbr.rel @!p0 .LBB2_2-.Ltmp2, $1  }
0x13: {  	_ =	sdelay $0x3  }
0x14: {  	s13 =	sand.u32 $0x1, s10  }
0x15: {  	p0 =	seq.s32 s13, $0x0  }
.Ltmp3:
0x16: {  	_ = 	snop;
	(pc) =	sbr.rel @p0 .LBB2_9-.Ltmp3, $1  }
0x17: {  	_ =	sdelay $0x3  }
0x18: {  	_ =	swait.ge [sflag:s5], $0x80  }
0x19: {  	[sflag:s5] =	ssyncset.done $0x0  }
0x1a: {  	s13 =	simm.s32 $0x0;
	[sflag:s5] =	ssyncadd.s32 $0xFFFFFF80  }
0x1b: {  	v0 =	vld.msk [tilespmem:s13+$0x80 ss:$0x1], $0xffff;
	_ =	sdelay $0x4  }
0x1c: {  	vm2 =	vgt.s32 v0, $0x0  }
0x1d: {  	v0 =	vnsel vm2, $0x0, v0  }
0x1e: {  	v0 =	vmin.u32 v0, $0x1FFF  }
0x1f: {  	v0 =	vshll.u32 v0, $0x4;
	_ =	sdelay $0x3  }
0x20: {  	s13 =	simm.s32 $0x4100  }
0x21: {  	[tilespmem:s13], [sflag:$0x1] =	stream.indirect_vreg.gather [hbm:s2], $0x80, v0, vm0, $0x38;
	[tilespmem:$0x8100] =	vst v63  }
0x22: {  	s14 =	simm.s32 $0x4500;
	s31 =	simm.s32 $0x10  }
0x23: {  	[tilespmem:s14], [sflag:$0x1] =	stream.indirect_vreg.gather [hbm:s2], $0x80, v0, vm1, $0x38;
	[tilespmem:$0x8100] =	vst v63  }
0x24: {  	s14 =	simm.s32 $0x80;
	v0 =	vld.msk [tilespmem:s31+$0x80 ss:$0x1], $0xffff  }
.LBB2_5:
0x25: {  	p0 =	sne.s32 s14, $0x1C0;
	_ =	sdelay $0x4  }
0x26: {  	vm2 =	vgt.s32 v0, $0x0  }
0x27: {  	v0 =	vnsel vm2, $0x0, v0  }
0x28: {  	v0 =	vmin.u32 v0, $0x1FFF  }
0x29: {  	v0 =	vshll.u32 v0, $0x4;
	_ =	sdelay $0x3  }
.Ltmp4:
0x2a: {  	s13 =	sadd.s32 $0x800, s13;
	(pc) =	sbr.rel @p0 .LBB2_5-.Ltmp4, $4  }
0x2b: {  	[tilespmem:s13], [sflag:$0x1] =	stream.indirect_vreg.gather [hbm:s2], $0x80, v0, vm0, $0x38;
	[tilespmem:$0x8100] =	vst v63  }
0x2c: {  	s15 =	sshra.s32 s14, $0x2;
	s16 =	sadd.s32 $0x400, s13  }
0x2d: {  	[tilespmem:s16], [sflag:$0x1] =	stream.indirect_vreg.gather [hbm:s2], $0x80, v0, vm1, $0x38;
	[tilespmem:$0x8100] =	vst v63  }
0x2e: {  	s14 =	sadd.s32 $0x40, s14;
	v0 =	vld.msk [tilespmem:s15+$0x80 ss:$0x1], $0xffff  }
0x2f: {  	_ =	sdelay $0x3  }
0x30: {  	vm2 =	vgt.s32 v0, $0x0  }
0x31: {  	v0 =	vnsel vm2, $0x0, v0  }
0x32: {  	v0 =	vmin.u32 v0, $0x1FFF  }
0x33: {  	v0 =	vshll.u32 v0, $0x4;
	_ =	sdelay $0x3  }
0x34: {  	s13 =	sadd.s32 $0x800, s13  }
0x35: {  	[tilespmem:s13], [sflag:$0x1] =	stream.indirect_vreg.gather [hbm:s2], $0x80, v0, vm0, $0x38;
	[tilespmem:$0x8100] =	vst v63  }
0x36: {  	s13 =	sadd.s32 $0x400, s13  }
0x37: {  	[tilespmem:s13], [sflag:$0x1] =	stream.indirect_vreg.gather [hbm:s2], $0x80, v0, vm1, $0x38;
	[tilespmem:$0x8100] =	vst v63  }
0x38: {  	s12 =	sshll.u32 s12, $0x4;
	s14 =	simm.s32 $0x80;
	_ =	swait.ge [sflag:s4], $0x4000  }
0x39: {  	s15 =	simm.s32 $0x4500;
	s12 =	sadd.s32 s12, s7;
	[sflag:s4] =	ssyncset.done $0x0  }
0x3a: {  	s16 =	sadd.s32 $0x0, s12;
	s13 =	simm.s32 $0x4100;
	[sflag:s4] =	ssyncadd.s32 $0xFFFFC000  }
.LBB2_7:
0x3b: {  	[hbm:s16] =	stream.linear.scatter [tilespmem:s13], [sflag:$0x3], $0x400, $0x38;
	[tilespmem:$0x8100] =	vst v63  }
0x3c: {  	s16 =	smov.u32 s14;
	s13 =	smov.u32 s15;
	p0 =	sne.s32 s14, $0x780  }
.Ltmp5:
0x3d: {  	s14 =	sadd.s32 $0x80, s14;
	(pc) =	sbr.rel @p0 .LBB2_7-.Ltmp5, $2  }
0x3e: {  	_ =	sdelay $0x2  }
0x3f: {  	s15 =	sadd.s32 $0x400, s15;
	s16 =	sadd.s32 s16, s12  }
.Ltmp6:
0x40: {  	(pc) =	sbr.rel .LBB2_9-.Ltmp6, $2  }
0x41: {  	_ =	sdelay $0x2  }
0x42: {  	[hbm:s16] =	stream.linear.scatter [tilespmem:s13], [sflag:$0x3], $0x400, $0x38;
	[tilespmem:$0x8100] =	vst v63  }
.LBB2_2:
.Ltmp7:
0x43: {  	(pc) =	sbr.rel .LBB2_10-.Ltmp7, $4  }
0x44: {  	_ = 	snop  }
0x45: {  	s12 =	sshrl.u32 s11, $0x3  }
0x46: {  	s13 =	sand.u32 $0x7, s11;
	s12 =	sadd.s32 s3, s12  }
0x47: {  	[tilespmem:s9], [sflag:$0x2] =	stream.linear.gather [hbm4b:s12+s13], $0x80, $0x38;
	[tilespmem:$0x8100] =	vst v63  }
.LBB2_11:
0x48: {  	s2 =	simm.s32 $0x3  }
0x49: {  	_ =	swait.ge [sflag:s2], $0x4000  }
0x4a: {  	[sflag:s2] =	ssyncset.done $0x0  }
0x4b: {  	[sflag:s2] =	ssyncadd.s32 $0xFFFFC000  }
0x4c: {  	_ =	sfence.sel $0x180000  }
0x4d: {  	s3 =	simm.s32 $0x2;
	[bflag:$0x0] =	sbarrier.arrive $0xFFFF  }
0x4e: {  	[sflag:s3] =	ssyncpa.u1 $0x1  }
0x4f: {  	s31 =	simm.s32 $0x1;
	[sflag:s2] =	ssyncpa.u1 $0x1  }
0x50: {  	[sflag:s31] =	ssyncpa.u1 $0x1  }
0x51: {  	p0 =	sne.s32 s1, $0x0;
	_ =	strace $0x9000004D  }
0x52: {  	s0 =	sadd.s32 @!p0 $0x100000, s0;
	[bflag:$0x2] =	sbarrier.arrive $0xFFFF  }
0x53: {  	[sflag:s0] =	ssyncadd.tile.s32 @!p0 $0x1;
	_ =	shalt  }
.Lfunc_end2:
_tile_overlayer_lowered:
.L_overlay_start_2:
0x54: {  	(tag) =	ssettag $0x2  }
0x55: {  	s0 =	rddreg [dreg:$0x0];
	s2 =	stileid.u32  }
0x56: {  	s1 =	rddreg [dreg:$0x1];
	p0 =	sne.s32 s2, $0x0  }
0x57: {  	s3 =	rddreg [dreg:$0x2];
	[bflag:$0x3] =	sbarrier.arrive $0xFFFF;
	s2 =	simm.s32 @!p0 $0x1C01  }
0x58: {  	[timem:s3], [sflag:s2] =	dma.local @!p0 [hbm:s0], s1  }
0x59: {  	s0 =	simm.s32 @!p0 $0x1  }
0x5a: {  	_ =	swait.ge @!p0 [sflag:s0], s1  }
0x5b: {  	s1 =	ssub.s32 @!p0 $0x0, s1;
	[sflag:s0] =	ssyncset.done @!p0 $0x0  }
0x5c: {  	[sflag:s0] =	ssyncadd.s32 @!p0 s1  }
0x5d: {  	[bflag:$0x3] =	sbarrier.arrive $0xFFFF  }
0x5e: {  	_ =	shalt  }

// kernel: gather_offload_async_start
scs
__scs_entry_jumppad:
0x0: {  	(pc) =	sbr.rel $0x88, $3  }
0x1: {  	(tag) =	ssettag $0x0;
	lr =	simm.s32 $0x1  }
0x2: {  	[smem:$0x3F99] =	sst lr;
	_ =	strace $0xD0000000  }
0x3: {  	_ = 	snop  }
0x4: {  	_ = 	snop  }
0x5: {  	_ = 	snop  }
0x6: {  	_ = 	snop  }
0x7: {  	_ = 	snop  }
__scs_overlays_trampoline_lowered:
0x8: {  	[smem:$0x3FA8] =	sst s0  }
0x9: {  	[smem:$0x3FA9] =	sst s1  }
0xa: {  	[smem:$0x3FAA] =	sst s2  }
0xb: {  	[smem:$0x3FAB] =	sst s3  }
0xc: {  	[smem:$0x3FAC] =	sst s4  }
0xd: {  	[smem:$0x3FAD] =	sst s5  }
0xe: {  	[smem:$0x3FAE] =	sst s6  }
0xf: {  	[smem:$0x3FAF] =	sst s7  }
0x10: {  	[smem:$0x3FB0] =	sst s8  }
0x11: {  	[smem:$0x3FB1] =	sst s9;
	s0 =	simm.s32 @!p0 $0x0  }
0x12: {  	s1 =	sld [smem:$0x3F97];
	s0 =	simm.s32 @p0 $0x1  }
0x13: {  	[smem:$0x3FB2] =	sst s0;
	s0 =	simm.s32 @!p1 $0x0  }
0x14: {  	s2 =	sld [smem:$0x3F96];
	s0 =	simm.s32 @p1 $0x1  }
0x15: {  	[smem:$0x3FB3] =	sst s0;
	s0 =	simm.s32 @!p2 $0x0  }
0x16: {  	s3 =	sld [smem:$0x3FDB];
	s0 =	simm.s32 @p2 $0x1  }
0x17: {  	s4 =	simm.s32 $0x1BF5;
	[smem:$0x3FB5] =	sst s0  }
0x18: {  	s0 =	sld [smem:$0x3F98];
	_ =	swait.ge [sflag:s4], $0x0  }
0x19: {  	s7 =	sld [smem:$0x3F99]  }
0x1a: {  	s8 =	sadd.s32 $0xFFFFE003, lr  }
0x1b: {  	s9 =	sadd.s32 $0xFFFFFEF7, lr;
	s5 =	simm.s32 $0xFFFFFFFF;
	p2 =	slt.u32 s8, $0xFFFFF086  }
0x1c: {  	p1 =	slt.u32 s9, $0xF7A;
	s5 =	simm.s32 @!p2 $0x0  }
0x1d: {  	s5 =	simm.s32 @p1 $0x1;
	p0 =	seq.s32 s7, s2  }
0x1e: {  	s7 =	smul.u32 @!p0 $0xF7A, s2;
	p2 =	seq.s32 @!p0 s5, $0x0  }
0x1f: {  	s9 =	smul.u32 $0xF7A, s1;
	s8 =	simm.s32 @!p0 $0x1BF5;
	p2 =	por !p2, p0  }
0x20: {  	[sflag:s8] =	ssyncset.s32 @!p0 $0xFFFFF086;
	s6 =	sadd.s32 @!p0 s3, s7;
	s7 =	simm.s32 @!p0 $0x108  }
0x21: {  	s3 =	sadd.s32 s3, s9;
	s6 =	sadd.s32 @!p0 $0x88, s6;
	s7 =	simm.s32 @p2 $0x1082  }
0x22: {  	[simem:s7], [sflag:s8] =	dma.local @!p0 [hbm:s6], $0xF7A  }
0x23: {  	s9 =	sor.u32 $0xD0000000, s2;
	s6 =	simm.s32 $0x108;
	_ =	swait.ge @!p0 [sflag:s8], $0x0  }
0x24: {  	s3 =	sadd.s32 $0x88, s3;
	s6 =	simm.s32 @!p1 $0x1082;
	[sflag:s4] =	ssyncset.s32 $0xFFFFF086  }
0x25: {  	[simem:s6], [sflag:s4] =	dma.local [hbm:s3], $0xF7A  }
0x26: {  	[smem:$0x3F99] =	sst s1;
	(tag) =	ssettag s2;
	_ =	strace s9  }
0x27: {  	s1 =	sld [smem:$0x3FA9]  }
0x28: {  	s2 =	sld [smem:$0x3FAA]  }
0x29: {  	s4 =	sld [smem:$0x3FAC]  }
0x2a: {  	p0 =	seq.s32 s5, $0x0;
	s5 =	sld [smem:$0x3FAD]  }
0x2b: {  	s6 =	sld [smem:$0x3FAE]  }
0x2c: {  	s7 =	sld [smem:$0x3FAF]  }
0x2d: {  	s3 =	simm.s32 $0x108;
	s8 =	sld [smem:$0x3FB0]  }
0x2e: {  	s3 =	simm.s32 @!p0 $0x1082;
	s9 =	sld [smem:$0x3FB1]  }
0x2f: {  	lr =	sadd.s32 s0, s3;
	s0 =	sld [smem:$0x3FA8]  }
0x30: {  	s3 =	sld [smem:$0x3FAB]  }
0x31: {  	[smem:$0x3FB4] =	sst s10  }
0x32: {  	s10 =	sld [smem:$0x3FB2];
	_ =	sdelay $0x3  }
0x33: {  	p0 =	seq.s32 s10, $0x1;
	s10 =	sld [smem:$0x3FB4];
	_ =	sdelay $0x3  }
0x34: {  	[smem:$0x3FB4] =	sst s10  }
0x35: {  	s10 =	sld [smem:$0x3FB3];
	_ =	sdelay $0x3  }
0x36: {  	p1 =	seq.s32 s10, $0x1;
	s10 =	sld [smem:$0x3FB4];
	_ =	sdelay $0x3  }
0x37: {  	[smem:$0x3FB4] =	sst s10  }
0x38: {  	s10 =	sld [smem:$0x3FB5]  }
0x39: {  	_ = 	snop;
	(pc) =	sbr.ind lr, $3  }
0x3a: {  	_ = 	snop  }
0x3b: {  	_ = 	snop  }
0x3c: {  	p2 =	seq.s32 s10, $0x1;
	s10 =	sld [smem:$0x3FB4]  }
0x3d: {  	_ =	shalt  }
0x3e: {  	_ =	shalt  }
0x3f: {  	_ =	shalt  }
0x40: {  	_ =	shalt  }
0x41: {  	_ =	shalt  }
0x42: {  	_ =	shalt  }
0x43: {  	_ =	shalt  }
0x44: {  	_ =	shalt  }
0x45: {  	_ =	shalt  }
0x46: {  	_ =	shalt  }
0x47: {  	_ =	shalt  }
0x48: {  	_ =	shalt  }
0x49: {  	_ =	shalt  }
0x4a: {  	_ =	shalt  }
0x4b: {  	_ =	shalt  }
0x4c: {  	_ =	shalt  }
0x4d: {  	_ =	shalt  }
0x4e: {  	_ =	shalt  }
0x4f: {  	_ =	shalt  }
0x50: {  	_ =	shalt  }
0x51: {  	_ =	shalt  }
0x52: {  	_ =	shalt  }
0x53: {  	_ =	shalt  }
0x54: {  	_ =	shalt  }
0x55: {  	_ =	shalt  }
0x56: {  	_ =	shalt  }
0x57: {  	_ =	shalt  }
0x58: {  	_ =	shalt  }
0x59: {  	_ =	shalt  }
0x5a: {  	_ =	shalt  }
0x5b: {  	_ =	shalt  }
0x5c: {  	_ =	shalt  }
0x5d: {  	_ =	shalt  }
0x5e: {  	_ =	shalt  }
0x5f: {  	_ =	shalt  }
0x60: {  	_ =	shalt  }
0x61: {  	_ =	shalt  }
0x62: {  	_ =	shalt  }
0x63: {  	_ =	shalt  }
0x64: {  	_ =	shalt  }
0x65: {  	_ =	shalt  }
0x66: {  	_ =	shalt  }
0x67: {  	_ =	shalt  }
0x68: {  	_ =	shalt  }
0x69: {  	_ =	shalt  }
0x6a: {  	_ =	shalt  }
0x6b: {  	_ =	shalt  }
0x6c: {  	_ =	shalt  }
0x6d: {  	_ =	shalt  }
0x6e: {  	_ =	shalt  }
0x6f: {  	_ =	shalt  }
0x70: {  	_ =	shalt  }
0x71: {  	_ =	shalt  }
0x72: {  	_ =	shalt  }
0x73: {  	_ =	shalt  }
0x74: {  	_ =	shalt  }
0x75: {  	_ =	shalt  }
0x76: {  	_ =	shalt  }
0x77: {  	_ =	shalt  }
0x78: {  	_ =	shalt  }
0x79: {  	_ =	shalt  }
0x7a: {  	_ =	shalt  }
0x7b: {  	_ =	shalt  }
0x7c: {  	_ =	shalt  }
0x7d: {  	_ =	shalt  }
0x7e: {  	_ =	shalt  }
0x7f: {  	_ =	shalt  }
0x80: {  	_ =	shalt  }
0x81: {  	_ =	shalt  }
0x82: {  	_ =	shalt  }
0x83: {  	_ =	shalt  }
0x84: {  	_ =	shalt  }
0x85: {  	_ =	shalt  }
0x86: {  	_ =	shalt  }
0x87: {  	_ =	shalt  }
.Lfunc_end0:
.L_simem_size_0:
called_computation_lowered:
.L_overlay_start_0:
0x88: {  	s2 =	sld [smem:$0x3FD9]  }
0x89: {  	s3 =	sld [smem:$0x3FFE];
	_ =	sdelay $0x1  }
0x8a: {  	s1 =	srdreg.scid  }
0x8b: {  	s0 =	sand.u32 $0x1, s1  }
0x8c: {  	s17 =	sshll.u32 s0, $0xA;
	s2 =	sadd.s32 s3, s2  }
0x8d: {  	s2 =	sadd.s32 s2, s17  }
0x8e: {  	[smem:$0x3FC0] =	sst s2  }
0x8f: {  	_ = 	snop  }
0x90: {  	s2 =	sld [smem:$0x3FD0];
	(tm) =	ssettm $0x1  }
0x91: {  	s18 =	sld [smem:$0x3FFB];
	_ =	sdelay $0x3  }
0x92: {  	_ =	strace s18  }
0x93: {  	s3 =	sld [smem:$0x3FFC];
	_ =	sdelay $0x3  }
0x94: {  	_ =	strace s3  }
0x95: {  	s3 =	sld [smem:$0x3FFD];
	_ =	sdelay $0x3  }
0x96: {  	_ =	strace s3  }
0x97: {  	_ =	strace $0x8FFFFFFF  }
0x98: {  	s19 =	sld [smem:$0x3FDB];
	_ =	sdelay $0x1  }
0x99: {  	s4 =	simm.s32 $_scs_section_size  }
0x9a: {  	s5 =	simm.s32 $_size__tile_overlayer_lowered;
	s6 =	simm.s32 $_tile_overlayer_lowered  }
0x9b: {  	s22 =	simm.s32 $0x1BFF;
	s21 =	sshll.u32 s6, $0x1;
	s3 =	sadd.s32 s4, s19  }
0x9c: {  	s7 =	simm.s32 $0x0;
	s20 =	sshll.u32 s5, $0x1;
	s5 =	sadd.s32 s21, s3  }
0x9d: {  	[timem:s7], [sflag:s22] =	dma.local [hbm:s5], s20  }
0x9e: {  	_ =	swait.ge [sflag:s22], s20  }
0x9f: {  	s4 =	ssub.s32 $0x0, s20;
	[sflag:s22] =	ssyncset.done $0x0  }
0xa0: {  	[sflag:s22] =	ssyncadd.s32 s4;
	_ =	sdelay $0x1  }
0xa1: {  	s23 =	simm.s32 $0x1B8B  }
0xa2: {  	_ =	swait.ge [sflag:s23], $0x1  }
0xa3: {  	[sflag:s23] =	ssyncset.done $0x0  }
0xa4: {  	s25 =	simm.s32 $0x1B8E;
	s24 =	sld [smem:$0x3FFE];
	[sflag:s23] =	ssyncadd.s32 $0xFFFFFFFF  }
0xa5: {  	s26 =	simm.s32 $execute0_lowered;
	[smem:$0x3FD2] =	sst s25  }
0xa6: {  	s5 =	sshll.u32 s26, $0x1;
	_ =	strace $0x80000046;
	[dreg:$0x1] =	wrdreg $0xFFFFFFFF  }
0xa7: {  	s28 =	simm.s32 $_size_execute0_lowered;
	s3 =	sadd.s32 s3, s5;
	[dreg:$0x0] =	wrdreg $0x0  }
0xa8: {  	s5 =	sshll.u32 s28, $0x1;
	[dreg:$0x2] =	wrdreg s3  }
0xa9: {  	[dreg:$0x3] =	wrdreg s5  }
0xaa: {  	[dreg:$0x4] =	wrdreg $0xC0  }
0xab: {  	_ =	task [dreg:s7], $0x5FFFF  }
0xac: {  	[dreg:$0x1] =	wrdreg $0xFFFFFFFF  }
0xad: {  	[dreg:$0x0] =	wrdreg $0x60  }
0xae: {  	[dreg:$0x2] =	wrdreg s2  }
0xaf: {  	[dreg:$0x3] =	wrdreg s24  }
0xb0: {  	[dreg:$0x4] =	wrdreg $0x9  }
0xb1: {  	_ =	task.clear_ibuf [dreg:s7], $0x5FFFF;
	_ =	strace $0x90000046  }
0xb2: {  	s29 =	simm.s32 $0x9;
	_ =	strace $0x80000048  }
0xb3: {  	_ =	swait.ge [sflag:s29], $0x1  }
0xb4: {  	[sflag:s29] =	ssyncadd.s32 $0xFFFFFFFF  }
0xb5: {  	_ =	strace $0x90000048  }
0xb6: {  	_ =	sfence  }
0xb7: {  	s30 =	sld [smem:$0x0];
	_ =	sdelay $0x2  }
0xb8: {  	s31 =	sshll.u32 s1, $0xD;
	s1 =	sshrl.u32 s1, $0x2  }
0xb9: {  	s3 =	sand.u32 $0x4000, s31;
	s1 =	sadd.s32 s1, s30  }
0xba: {  	s0 =	sor.u32 s3, s0;
	s1 =	sshll.u32 s1, $0x11  }
0xbb: {  	s0 =	sor.u32 s1, s0  }
0xbc: {  	s0 =	sadd.s32 $0x8F2B, s0  }
0xbd: {  	[sflag:s0] =	ssyncadd.remote.s32 $0x1  }
0xbe: {  	_ =	sfence.sel $0xFFFF  }
0xbf: {  	[dreg:$0x0] =	wrdreg $0xFFFFFFFF;
	(pc) =	sbr.abs _section_cstart, $3  }
0xc0: {  	[dreg:$0x1] =	wrdreg $0xFFFFFFFF  }
0xc1: {  	_ =	task.clear_ibuf [dreg:s7], $0x2FFFF;
	_ =	strace $0x9FFFFFFF  }
0xc2: {  	(tm) =	ssettm $0x7FFFFFFF  }
0xc3: {  	_ =	shalt  }
tec
execute0_lowered:
.L_overlay_start_1:
0x0: {  	(tag) =	ssettag $0x1  }
0x1: {  	s2 =	rddreg [dreg:$0x0];
	s0 =	srdreg.scid  }
0x2: {  	s5 =	rddreg [dreg:$0x1];
	s1 =	stileid.u32;
	s6 =	simm.s32 $0x1  }
0x3: {  	s9 =	simm.s32 $0x1;
	s10 =	simm.s32 $0x3;
	s3 =	sshll.u32 s0, $0x6  }
0x4: {  	s13 =	simm.s32 $0x0;
	s4 =	sshll.u32 s1, $0x7;
	s3 =	sand.u32 $0x40, s3  }
0x5: {  	s0 =	rddreg [dreg:$0x2];
	_ =	strace $0x80000047;
	s3 =	sor.u32 s4, s3  }
0x6: {  	s12 =	simm.s32 $0x0;
	[sflag:s6] =	ssyncpa.u1 $0x0;
	s8 =	ssub.s32 $0x1000, s3  }
.Ltmp0:
0x7: {  	s4 =	sadd.s32 $0x420400, s5;
	s7 =	sand.u32 $0x7C0, s8;
	(pc) =	sbr.rel .LBB2_1-.Ltmp0, $4  }
0x8: {  	s5 =	sadd.s32 $0x420600, s5;
	s11 =	smov.u32 s3;
	p0 =	sne.s32 s7, $0x0  }
0x9: {  	s8 =	sshrl.u32 s8, $0xB;
	s7 =	simm.s32 $0x2;
	s9 =	simm.s32 @!p0 $0x0  }
0xa: {  	[sflag:s7] =	ssyncpa.u1 $0x0;
	p0 =	por $0x0, $0x0;
	s8 =	sadd.s32 s9, s8  }
0xb: {  	vm0 =	vmmov $0xffff;
	[sflag:s10] =	ssyncpa.u1 $0x0;
	s10 =	simm.s32 $0x0;
	s9 =	sadd.s32 $0x1, s8  }
.LBB2_4:
0xc: {  	v2 =	vnsel vm1, $0x0, v2  }
0xd: {  	vm1 =	vgt.s32 v0, $0x0;
	v2 =	vmin.u32 v2, $0x1FFF  }
0xe: {  	v0 =	vnsel vm1, $0x0, v0  }
0xf: {  	v0 =	vmin.u32 v0, $0x1FFF  }
0x10: {  	[tilespmem:s15], [sflag:$0x1] =	stream.indirect_vreg.gather [hbm4b:s2+s10], $0x1, v1, vm0, $0x4038;
	[tilespmem:$0x100] =	vst v63  }
0x11: {  	(ifvalue) =	ssetifvalue $0x7FFFFFFF  }
0x12: {  	[tilespmem:s16], [sflag:$0x1] =	stream.indirect_vreg.gather [hbm4b:s2+s10], $0x1, v2, vm0, $0x4038;
	[tilespmem:$0x100] =	vst v63  }
0x13: {  	s29 =	sadd.s32 $0x10, s16;
	(ifvalue) =	ssetifvalue $0x7FFFFFFF  }
0x14: {  	[tilespmem:s29], [sflag:$0x1] =	stream.indirect_vreg.gather [hbm4b:s2+s10], $0x1, v0, vm0, $0x4038;
	[tilespmem:$0x100] =	vst v63  }
0x15: {  	_ =	swait.ge [sflag:s6], $0x40  }
0x16: {  	s30 =	sshrl.u32 s13, $0x3;
	[sflag:s6] =	ssyncset.done $0x0  }
0x17: {  	s31 =	sand.u32 $0x7, s13;
	s15 =	sadd.s32 s5, s30;
	[sflag:s6] =	ssyncadd.s32 $0xFFFFFFC0  }
0x18: {  	[hbm4b:s15+s31] =	stream.linear.scatter [tilespmem:s14], [sflag:$0x3], $0x40, $0x38;
	[tilespmem:$0x100] =	vst v63  }
.LBB2_5:
0x19: {  	s15 =	sadd.s32 $0x800, s11  }
0x1a: {  	p2 =	sgt.s32 s15, $0xFFF  }
0x1b: {  	s15 =	smov.u32 @p2 s3;
	p2 =	sne.s32 s12, s9  }
.Ltmp1:
0x1c: {  	p1 =	slt.u32 s12, $0x2;
	(pc) =	sbr.rel @!p2 .LBB2_6-.Ltmp1, $4  }
0x1d: {  	s14 =	simm.s32 @!p1 $0x3  }
0x1e: {  	s16 =	sadd.s32 $0x1, s12;
	_ =	swait.ge @!p1 [sflag:s14], $0x40  }
0x1f: {  	s13 =	smov.u32 s11;
	p0 =	por !p0, !p0;
	[sflag:s14] =	ssyncset.done @!p1 $0x0  }
0x20: {  	s12 =	smov.u32 s16;
	s11 =	smov.u32 s15;
	[sflag:s14] =	ssyncadd.s32 @!p1 $0xFFFFFFC0  }
.LBB2_1:
0x21: {  	p1 =	sge.u32 s12, s8  }
0x22: {  	s14 =	sxor.u32 @!p1 $0xFFFFFFFF, s12  }
0x23: {  	s31 =	sadd.s32 $0xFFFFFFFF, s12;
	s15 =	sshrl.u32 @!p1 s11, $0x3;
	s14 =	sshll.u32 @!p1 s14, $0x6  }
0x24: {  	s16 =	sand.u32 @!p1 $0x7, s11;
	s15 =	sadd.s32 @!p1 s4, s15;
	s14 =	sand.u32 @!p1 $0x40, s14  }
0x25: {  	[tilespmem:s14], [sflag:$0x2] =	stream.linear.gather @!p1 [hbm4b:s15+s16], $0x40, $0x38;
	[tilespmem:$0x100] =	vst v63  }
0x26: {  	p1 =	sge.u32 s31, s8  }
.Ltmp2:
0x27: {  	_ = 	snop;
	(pc) =	sbr.rel @p1 .LBB2_5-.Ltmp2, $1  }
0x28: {  	_ =	sdelay $0x3  }
0x29: {  	s14 =	simm.s32 $0x1  }
0x2a: {  	_ =	swait.ge [sflag:s7], $0x40;
	s14 =	simm.s32 @!p0 $0x0  }
0x2b: {  	[sflag:s7] =	ssyncset.done $0x0;
	s14 =	sshll.u32 s14, $0x6  }
0x2c: {  	[sflag:s7] =	ssyncadd.s32 $0xFFFFFFC0;
	(ifvalue) =	ssetifvalue $0x7FFFFFFF;
	v0 =	vld.msk [tilespmem:s14+$0x0 ss:$0x1], $0xffff;
	_ =	sdelay $0x4  }
0x2d: {  	s15 =	sadd.s32 $0x10, s14;
	vm1 =	vgt.s32 v0, $0x0  }
0x2e: {  	v2 =	vld.msk [tilespmem:s15+$0x0 ss:$0x1], $0xffff;
	v1 =	vnsel vm1, $0x0, v0  }
0x2f: {  	v1 =	vmin.u32 v1, $0x1FFF;
	_ =	sdelay $0x1  }
0x30: {  	s16 =	sshll.u32 s12, $0x6;
	s18 =	simm.s32 $0x20  }
0x31: {  	s16 =	sand.u32 $0x40, s16;
	s17 =	sadd.s32 $0x10, s15;
	s15 =	sor.u32 $0x80, s14  }
0x32: {  	s14 =	sor.u32 $0x80, s16;
	s16 =	sadd.s32 $0x10, s15;
	v0 =	vld.msk [tilespmem:s17+$0x0 ss:$0x1], $0xffff;
	vm1 =	vgt.s32 v2, $0x0;
	(ifvalue) =	ssetifvalue $0x7FFFFFFF  }
.LBB2_3:
0x33: {  	[tilespmem:s15], [sflag:$0x1] =	stream.indirect_vreg.gather [hbm4b:s2+s10], $0x1, v1, vm0, $0x4038;
	[tilespmem:$0x100] =	vst v63  }
0x34: {  	s18 =	sadd.s32 $0x10, s18  }
0x35: {  	v2 =	vnsel vm1, $0x0, v2;
	p1 =	slt.u32 s18, $0x30  }
.Ltmp3:
0x36: {  	s15 =	smov.u32 s16;
	v1 =	vmin.u32 v2, $0x1FFF;
	(pc) =	sbr.rel @p1 .LBB2_3-.Ltmp3, $3  }
0x37: {  	_ =	sdelay $0x1  }
0x38: {  	s17 =	sadd.s32 $0x10, s17  }
0x39: {  	vm1 =	vgt.s32 v0, $0x0;
	s16 =	sadd.s32 $0x10, s16;
	v2 =	vmov v0;
	(ifvalue) =	ssetifvalue $0x7FFFFFFF;
	v0 =	vld.msk [tilespmem:s17+$0x0 ss:$0x1], $0xffff  }
.Ltmp4:
0x3a: {  	_ = 	snop;
	(pc) =	sbr.rel .LBB2_4-.Ltmp4, $1  }
0x3b: {  	_ =	sdelay $0x3  }
.LBB2_6:
0x3c: {  	_ =	sfence.sel $0x180000  }
0x3d: {  	s2 =	simm.s32 $0x2;
	[bflag:$0x0] =	sbarrier.arrive $0xFFFF  }
0x3e: {  	s30 =	simm.s32 $0x3;
	[sflag:s2] =	ssyncpa.u1 $0x1  }
0x3f: {  	s31 =	simm.s32 $0x1;
	[sflag:s30] =	ssyncpa.u1 $0x1  }
0x40: {  	[sflag:s31] =	ssyncpa.u1 $0x1  }
0x41: {  	p0 =	sne.s32 s1, $0x0;
	_ =	strace $0x90000047  }
0x42: {  	s0 =	sadd.s32 @!p0 $0x100000, s0;
	[bflag:$0x2] =	sbarrier.arrive $0xFFFF  }
0x43: {  	[sflag:s0] =	ssyncadd.tile.s32 @!p0 $0x1;
	_ =	shalt  }
.Lfunc_end2:
_tile_overlayer_lowered:
.L_overlay_start_2:
0x44: {  	(tag) =	ssettag $0x2  }
0x45: {  	s0 =	rddreg [dreg:$0x0];
	s2 =	stileid.u32  }
0x46: {  	s1 =	rddreg [dreg:$0x1];
	p0 =	sne.s32 s2, $0x0  }
0x47: {  	s3 =	rddreg [dreg:$0x2];
	[bflag:$0x3] =	sbarrier.arrive $0xFFFF;
	s2 =	simm.s32 @!p0 $0x1C01  }
0x48: {  	[timem:s3], [sflag:s2] =	dma.local @!p0 [hbm:s0], s1  }
0x49: {  	s0 =	simm.s32 @!p0 $0x1  }
0x4a: {  	_ =	swait.ge @!p0 [sflag:s0], s1  }
0x4b: {  	s1 =	ssub.s32 @!p0 $0x0, s1;
	[sflag:s0] =	ssyncset.done @!p0 $0x0  }
0x4c: {  	[sflag:s0] =	ssyncadd.s32 @!p0 s1  }
0x4d: {  	[bflag:$0x3] =	sbarrier.arrive $0xFFFF  }
0x4e: {  	_ =	shalt  }

</sc_bundles>
